<compile_context>
chip_gen: v7x
topology: tpu7x:2x2x1
jax: 0.10.2.dev20260603
libtpu: 0.0.44.dev20260713+nightly
codegen_flags: <defaults>
</compile_context>

<pallas_src>
import functools

import jax
import jax.numpy as jnp
from jax import lax
from jax.experimental import pallas as pl
from jax.experimental.pallas import tpu as pltpu
from jax.experimental.pallas import tpu_sc as plsc



def _conv(x, p, stride=1, pad=0):
    y = jax.lax.conv_general_dilated(x, p['w'], (stride, stride),
                                     ((pad, pad), (pad, pad)),
                                     dimension_numbers=('NCHW', 'OIHW', 'NCHW'))
    return y + p['b'][None, :, None, None]


def _convt(x, p, stride=2, pad=1):
    w = jnp.flip(p['w'], (2, 3)).transpose(1, 0, 2, 3)
    k = w.shape[2]
    q = k - 1 - pad
    y = jax.lax.conv_general_dilated(x, w, (1, 1), ((q, q), (q, q)),
                                     lhs_dilation=(stride, stride),
                                     dimension_numbers=('NCHW', 'OIHW', 'NCHW'))
    return y + p['b'][None, :, None, None]


def _enc_f(p, x, stride):
    if stride == 4:
        x = jax.nn.relu(_conv(x, p['convs'][0], 2, 1))
        x = jax.nn.relu(_conv(x, p['convs'][1], 2, 1))
        x = _conv(x, p['convs'][2], 1, 1)
    else:
        x = jax.nn.relu(_conv(x, p['convs'][0], 2, 1))
        x = _conv(x, p['convs'][1], 1, 1)
    for rb in p['res']:
        h = jax.nn.relu(x)
        h = _conv(h, rb['c1'], 1, 1)
        h = jax.nn.relu(h)
        h = _conv(h, rb['c2'], 1, 0)
        x = x + h
    return jax.nn.relu(x)


def _dec_f(p, x, stride):
    x = _conv(x, p['c0'], 1, 1)
    for rb in p['res']:
        h = jax.nn.relu(x)
        h = _conv(h, rb['c1'], 1, 1)
        h = jax.nn.relu(h)
        h = _conv(h, rb['c2'], 1, 0)
        x = x + h
    x = jax.nn.relu(x)
    if stride == 4:
        x = jax.nn.relu(_convt(x, p['ct'][0]))
        x = _convt(x, p['ct'][1])
    else:
        x = _convt(x, p['ct'][0])
    return x



def _vq_body(x_ref, e_ref, ind_ref, dsum_ref, *, RB, N, NE, base):
    c = pl.program_id(0)
    x = x_ref[...]
    e = e_ref[...]
    xe = jnp.dot(x, e, preferred_element_type=jnp.float32)
    x2 = jnp.sum(x * x, axis=1, keepdims=True)
    e2 = jnp.sum(e * e, axis=0, keepdims=True)
    dist = x2 - 2.0 * xe + e2
    m = jnp.min(dist, axis=1, keepdims=True)
    lanes = lax.broadcasted_iota(jnp.int32, dist.shape, 1)
    ind = jnp.min(jnp.where(dist <= m, lanes, NE), axis=1) + base
    ind_ref[0, 0, :] = ind
    rows = lax.broadcasted_iota(jnp.int32, (RB, 1), 0) + c * RB
    val = jnp.where(rows < N, jnp.maximum(m, 0.0), 0.0)

    @pl.when(c == 0)
    def _():
        dsum_ref[...] = jnp.zeros((1, 1), jnp.float32)

    dsum_ref[...] += jnp.sum(val).reshape(1, 1)



def _sc_gather(table, idx, n_rows, d):
    info = plsc.get_sparse_core_info()
    nw = info.num_cores * info.num_subcores
    nc = info.num_cores
    n_chunks = n_rows // 128
    cpw = -(-n_chunks // nw)
    n_full = nw * cpw * 128
    idx2 = jnp.pad(idx, (0, n_full - n_rows)).reshape(nw * cpw, 128)
    mesh = plsc.VectorSubcoreMesh(core_axis_name="c", subcore_axis_name="s")

    nv = table.shape[0]

    @functools.partial(
        pl.kernel, mesh=mesh,
        out_type=jax.ShapeDtypeStruct((n_full, d), jnp.float32),
        scratch_types=[
            pltpu.VMEM((cpw, 128), jnp.int32),
            pltpu.VMEM((cpw * 128, d), jnp.float32),
            pltpu.VMEM_SHARED((nv, d), jnp.float32),
            pltpu.SemaphoreType.DMA,
        ],
        compiler_params=pltpu.CompilerParams(use_tc_tiling_on_sc=False),
    )
    def kern(table_hbm, idx_hbm, out_hbm, idx_v, rows_v, tab_sh, sem):
        wid = lax.axis_index("s") * nc + lax.axis_index("c")
        base = wid * cpw

        @pl.when(lax.axis_index("s") == 0)
        def _():
            pltpu.sync_copy(table_hbm, tab_sh)

        plsc.subcore_barrier()
        pltpu.sync_copy(idx_hbm.at[pl.ds(base, cpw)], idx_v)
        copies = [pltpu.async_copy(tab_sh.at[idx_v.at[j]],
                                   rows_v.at[pl.ds(j * 128, 128)], sem)
                  for j in range(cpw)]
        for cp in copies:
            cp.wait()
        pltpu.sync_copy(rows_v, out_hbm.at[pl.ds(base * 128, cpw * 128)])

    return kern(table, idx2)[:n_rows]


def _quantize2(x0_bhwc, x1_bhwc, embed0, embed1):
    B, H, W, D = x0_bhwc.shape
    half_ne = embed0.shape[1]
    N = B * H * W
    half_pad = ((N + 127) // 128) * 128
    n_pad = 2 * half_pad
    pad = ((0, half_pad - N), (0, 0))
    g = -(-half_pad // 2048)
    while half_pad % g or (half_pad // g) % 128:
        g += 1
    RB = half_pad // g
    inds, dsums = [], []
    for bi, (xb, eb) in enumerate(((x0_bhwc, embed0), (x1_bhwc, embed1))):
        xf = jnp.pad(xb.reshape(N, D), pad)
        body = functools.partial(_vq_body, RB=RB, N=N, NE=half_ne,
                                 base=bi * half_ne)
        ind, dsum = pl.pallas_call(
            body,
            grid=(g,),
            in_specs=[
                pl.BlockSpec((RB, D), lambda c: (c, 0)),
                pl.BlockSpec((D, half_ne), lambda c: (0, 0)),
            ],
            out_specs=[
                pl.BlockSpec((1, 1, RB), lambda c: (c, 0, 0)),
                pl.BlockSpec((1, 1), lambda c: (0, 0)),
            ],
            out_shape=[
                jax.ShapeDtypeStruct((g, 1, RB), jnp.int32),
                jax.ShapeDtypeStruct((1, 1), jnp.float32),
            ],
        )(xf, eb)
        inds.append(ind.reshape(half_pad))
        dsums.append(dsum[0, 0])
    etab = jnp.concatenate([embed0, embed1], axis=1)
    q = _sc_gather(jnp.transpose(etab), jnp.concatenate(inds), n_pad, D)
    q0 = q[:N].reshape(B, H, W, D)
    q1 = q[half_pad:half_pad + N].reshape(B, H, W, D)
    diff = (dsums[0] + dsums[1]) / (N * D)
    return q0, q1, diff



def kernel(content_input, reference_input, params):
    pc, pr = params['content'], params['reference']
    qts, enc_bs = [], []
    for p, x in ((pc, content_input), (pr, reference_input)):
        enc_b = _enc_f(p['enc_b'], x, 4)
        enc_t = _enc_f(p['enc_t'], enc_b, 2)
        qts.append(_conv(enc_t, p['qconv_t'], 1, 0).transpose(0, 2, 3, 1))
        enc_bs.append(enc_b)
    qt_c, qt_r, diff_t = _quantize2(qts[0], qts[1],
                                    pc['embed_t'], pr['embed_t'])
    quant_ts, qbs = [], []
    for p, qt, enc_b in ((pc, qt_c, enc_bs[0]), (pr, qt_r, enc_bs[1])):
        quant_t = qt.transpose(0, 3, 1, 2)
        dec_t = _dec_f(p['dec_t'], quant_t, 2)
        cat_b = jnp.concatenate([dec_t, enc_b], axis=1)
        qbs.append(_conv(cat_b, p['qconv_b'], 1, 0).transpose(0, 2, 3, 1))
        quant_ts.append(quant_t)
    qb_c, qb_r, diff_b = _quantize2(qbs[0], qbs[1],
                                    pc['embed_b'], pr['embed_b'])
    quants = []
    for p, quant_t, qb in ((pc, quant_ts[0], qb_c), (pr, quant_ts[1], qb_r)):
        up_t = _convt(quant_t, p['up_t'])
        quants.append(jnp.concatenate([up_t, qb.transpose(0, 3, 1, 2)],
                                      axis=1))
    quant = jnp.concatenate(quants, axis=1)
    dec = _dec_f(params['dec'], quant, 4)
    return dec, (diff_t + diff_b)[None]

# --- scband reference (transcript-rebuilt; emitter-appended) ---
"""Pipeline reference for scband-hvqvae-33285996544289 (READ-ONLY COPY).

The authoritative reference and input builder live on the scoring server;
editing this copy changes nothing except your own understanding.
"""

import jax, jax.numpy as jnp
import numpy as np


def _conv_p(key, in_c, out_c, k):
    w = jax.random.normal(key, (out_c, in_c, k, k), jnp.float32) * (1.0 / np.sqrt(in_c * k * k))
    return {'w': w, 'b': jnp.zeros((out_c,), jnp.float32)}


def _convt_p(key, in_c, out_c, k):
    w = jax.random.normal(key, (in_c, out_c, k, k), jnp.float32) * (1.0 / np.sqrt(in_c * k * k))
    return {'w': w, 'b': jnp.zeros((out_c,), jnp.float32)}


def _conv(x, p, stride=1, pad=0):
    y = jax.lax.conv_general_dilated(x, p['w'], (stride, stride), ((pad, pad), (pad, pad)),
                                     dimension_numbers=('NCHW', 'OIHW', 'NCHW'))
    return y + p['b'][None, :, None, None]


def _convt(x, p, stride=2, pad=1):
    w = jnp.flip(p['w'], (2, 3)).transpose(1, 0, 2, 3)
    k = w.shape[2]
    q = k - 1 - pad
    y = jax.lax.conv_general_dilated(x, w, (1, 1), ((q, q), (q, q)),
                                     lhs_dilation=(stride, stride),
                                     dimension_numbers=('NCHW', 'OIHW', 'NCHW'))
    return y + p['b'][None, :, None, None]


def _enc_p(key, in_c, ch, n_res, n_res_ch, stride):
    ks = jax.random.split(key, 8)
    p = {}
    if stride == 4:
        p['convs'] = [_conv_p(ks[0], in_c, ch // 2, 4), _conv_p(ks[1], ch // 2, ch, 4), _conv_p(ks[2], ch, ch, 3)]
    else:
        p['convs'] = [_conv_p(ks[0], in_c, ch // 2, 4), _conv_p(ks[1], ch // 2, ch, 3)]
    p['res'] = [{'c1': _conv_p(ks[3 + 2 * i], ch, n_res_ch, 3), 'c2': _conv_p(ks[4 + 2 * i], n_res_ch, ch, 1)} for i in range(n_res)]
    return p


def _enc_f(p, x, stride):
    if stride == 4:
        x = jax.nn.relu(_conv(x, p['convs'][0], 2, 1))
        x = jax.nn.relu(_conv(x, p['convs'][1], 2, 1))
        x = _conv(x, p['convs'][2], 1, 1)
    else:
        x = jax.nn.relu(_conv(x, p['convs'][0], 2, 1))
        x = _conv(x, p['convs'][1], 1, 1)
    for rb in p['res']:
        h = jax.nn.relu(x)
        h = _conv(h, rb['c1'], 1, 1)
        h = jax.nn.relu(h)
        h = _conv(h, rb['c2'], 1, 0)
        x = x + h
    return jax.nn.relu(x)


def _dec_p(key, in_c, out_c, ch, n_res, n_res_ch, stride):
    ks = jax.random.split(key, 8)
    p = {'c0': _conv_p(ks[0], in_c, ch, 3)}
    p['res'] = [{'c1': _conv_p(ks[1 + 2 * i], ch, n_res_ch, 3), 'c2': _conv_p(ks[2 + 2 * i], n_res_ch, ch, 1)} for i in range(n_res)]
    if stride == 4:
        p['ct'] = [_convt_p(ks[5], ch, ch // 2, 4), _convt_p(ks[6], ch // 2, out_c, 4)]
    else:
        p['ct'] = [_convt_p(ks[5], ch, out_c, 4)]
    return p


def _dec_f(p, x, stride):
    x = _conv(x, p['c0'], 1, 1)
    for rb in p['res']:
        h = jax.nn.relu(x)
        h = _conv(h, rb['c1'], 1, 1)
        h = jax.nn.relu(h)
        h = _conv(h, rb['c2'], 1, 0)
        x = x + h
    x = jax.nn.relu(x)
    if stride == 4:
        x = jax.nn.relu(_convt(x, p['ct'][0]))
        x = _convt(x, p['ct'][1])
    else:
        x = _convt(x, p['ct'][0])
    return x


def _quantize(x_bhwc, embed):
    dim = embed.shape[0]
    flatten = x_bhwc.reshape(-1, dim)
    dist = (jnp.sum(flatten ** 2, 1, keepdims=True)
            - 2.0 * flatten @ embed
            + jnp.sum(embed ** 2, 0, keepdims=True))
    ind = jnp.argmin(dist, axis=1)
    q = jnp.take(embed.T, ind, axis=0).reshape(x_bhwc.shape)
    diff = jnp.mean((jax.lax.stop_gradient(q) - x_bhwc) ** 2)
    q = x_bhwc + jax.lax.stop_gradient(q - x_bhwc)
    return q, diff, ind


def _branch_p(key, in_c, ch, n_res, n_res_ch, ed, ne):
    ks = jax.random.split(key, 8)
    return {
        'enc_b': _enc_p(ks[0], in_c, ch, n_res, n_res_ch, 4),
        'enc_t': _enc_p(ks[1], ch, ch, n_res, n_res_ch, 2),
        'qconv_t': _conv_p(ks[2], ch, ed, 1),
        'embed_t': jax.random.normal(ks[3], (ed, ne), jnp.float32),
        'dec_t': _dec_p(ks[4], ed, ed, ch, n_res, n_res_ch, 2),
        'qconv_b': _conv_p(ks[5], ed + ch, ed, 1),
        'embed_b': jax.random.normal(ks[6], (ed, ne), jnp.float32),
        'up_t': _convt_p(ks[7], ed, ed, 4),
    }


def _branch_f(p, x):
    enc_b = _enc_f(p['enc_b'], x, 4)
    enc_t = _enc_f(p['enc_t'], enc_b, 2)
    qt = _conv(enc_t, p['qconv_t'], 1, 0).transpose(0, 2, 3, 1)
    quant_t, diff_t, _ = _quantize(qt, p['embed_t'])
    quant_t = quant_t.transpose(0, 3, 1, 2)
    dec_t = _dec_f(p['dec_t'], quant_t, 2)
    cat_b = jnp.concatenate([dec_t, enc_b], axis=1)
    qb = _conv(cat_b, p['qconv_b'], 1, 0).transpose(0, 2, 3, 1)
    quant_b, diff_b, _ = _quantize(qb, p['embed_b'])
    quant_b = quant_b.transpose(0, 3, 1, 2)
    up_t = _convt(quant_t, p['up_t'])
    quant = jnp.concatenate([up_t, quant_b], axis=1)
    return quant, diff_t[None] + diff_b[None]


def setup_inputs(seed: int = 0):
    key = jax.random.key(seed)
    ks = jax.random.split(key, 6)
    ch, ed, ne, nr, nrc = 128, 64, 512, 2, 32
    params = {
        'content': _branch_p(ks[0], 3, ch, nr, nrc, ed, ne),
        'reference': _branch_p(ks[1], 3, ch, nr, nrc, ed, ne),
        'dec': _dec_p(ks[2], 4 * ed, 3, ch, nr, nrc, 4),
    }
    content_input = jax.random.normal(ks[3], (2, 3, 224, 224), jnp.float32)
    reference_input = jax.random.normal(ks[4], (2, 3, 224, 224), jnp.float32)
    return {'content_input': content_input, 'reference_input': reference_input, 'params': params}


def reference(content_input, reference_input, params):
    cq, cd = _branch_f(params['content'], content_input)
    rq, rd = _branch_f(params['reference'], reference_input)
    quant = jnp.concatenate([cq, rq], axis=1)
    dec = _dec_f(params['dec'], quant, 4)
    return dec, cd + rd

if __name__ == "__main__":
    import jax
    _d = setup_inputs()
    print(jax.jit(kernel)(*tuple(_d.values())))

</pallas_src>

<mosaic_0001>
#map = affine_map<(d0, d1) -> (0, 0)>
module attributes {stable_mosaic.version = 14 : i64} {
  func.func @kern(%arg0: i32, %arg1: i32, %arg2: memref<1024x64xf32, #tpu.memory_space<hbm>>, %arg3: memref<32x128xi32, #tpu.memory_space<hbm>>, %arg4: memref<4096x64xf32, #tpu.memory_space<hbm>>, %arg5: memref<1x128xi32, #tpu.memory_space<vmem>>, %arg6: memref<128x64xf32, #tpu.memory_space<vmem>>, %arg7: memref<1024x64xf32, #tpu.memory_space<vmem_shared>>, %arg8: memref<!tpu.dma_semaphore, #tpu.memory_space<semaphore_mem>>) attributes {dimension_semantics = [#tpu.dimension_semantics<core_parallel>, #tpu.dimension_semantics<subcore_parallel>], iteration_bounds = array<i64: 2, 16>, scalar_prefetch = 0 : i64, scratch_operands = 4 : i64, tpu.core_type = #tpu.core_type<sc_vector_subcore>, window_params = [{transform_indices = #map}, {transform_indices = #map}, {transform_indices = #map}]} {
    %mul3A = arith.constant 2 : i32
    %mul3A_0 = arith.muli %arg1, %mul3A : i32
    %add3A = arith.addi %mul3A_0, %arg0 : i32
    %mul3A_1 = arith.constant 1 : i32
    %mul3A_2 = arith.muli %add3A, %mul3A_1 : i32
    %eq3A = arith.constant 0 : i32
    %eq3A_3 = arith.cmpi eq, %arg1, %eq3A : i32
    %convert_element_type3A = arith.extui %eq3A_3 : i1 to i32
    %cond3A = arith.constant 0 : i32
    %cond3A_4 = arith.cmpi ne, %convert_element_type3A, %cond3A : i32
    scf.if %cond3A_4 {
      "tpu.region"() ({
        %run_scoped3A = tpu.sem_alloc : memref<!tpu.dma_semaphore, #tpu.memory_space<semaphore_mem>>
        tpu.enqueue_dma source(%arg2 : memref<1024x64xf32, #tpu.memory_space<hbm>>) target(%arg7 : memref<1024x64xf32, #tpu.memory_space<vmem_shared>>) target_semaphore(%run_scoped3A : memref<!tpu.dma_semaphore, #tpu.memory_space<semaphore_mem>>)
        tpu.wait_dma2 semaphore(%run_scoped3A : memref<!tpu.dma_semaphore, #tpu.memory_space<semaphore_mem>>) src(%arg2 : memref<1024x64xf32, #tpu.memory_space<hbm>>) dst(%arg7 : memref<1024x64xf32, #tpu.memory_space<vmem_shared>>)
        tpu.yield
      }) : () -> ()
    } else {
    }
    %barrier3A = arith.constant 0 : index
    tpu.barrier barrier_id(%barrier3A)
    "tpu.region"() ({
      %run_scoped3A = tpu.sem_alloc : memref<!tpu.dma_semaphore, #tpu.memory_space<semaphore_mem>>
      %dma_start3A_25 = arith.constant 0 : i32
      %dma_start3A_26 = tpu.memref_slice %arg3[%mul3A_2, %dma_start3A_25] : memref<32x128xi32, #tpu.memory_space<hbm>> -> memref<1x128xi32, #tpu.memory_space<hbm>>
      %dma_start3A_27 = arith.constant 0 : i32
      %dma_start3A_28 = tpu.memref_slice %arg3[%mul3A_2, %dma_start3A_27] : memref<32x128xi32, #tpu.memory_space<hbm>> -> memref<1x128xi32, #tpu.memory_space<hbm>>
      tpu.enqueue_dma source(%dma_start3A_28 : memref<1x128xi32, #tpu.memory_space<hbm>>) target(%arg5 : memref<1x128xi32, #tpu.memory_space<vmem>>) target_semaphore(%run_scoped3A : memref<!tpu.dma_semaphore, #tpu.memory_space<semaphore_mem>>)
      %dma_wait3A_29 = arith.constant 0 : i32
      %dma_wait3A_30 = tpu.memref_slice %arg3[%mul3A_2, %dma_wait3A_29] : memref<32x128xi32, #tpu.memory_space<hbm>> -> memref<1x128xi32, #tpu.memory_space<hbm>>
      %dma_wait3A_31 = arith.constant 0 : i32
      %dma_wait3A_32 = tpu.memref_slice %arg3[%mul3A_2, %dma_wait3A_31] : memref<32x128xi32, #tpu.memory_space<hbm>> -> memref<1x128xi32, #tpu.memory_space<hbm>>
      tpu.wait_dma2 semaphore(%run_scoped3A : memref<!tpu.dma_semaphore, #tpu.memory_space<semaphore_mem>>) src(%dma_wait3A_32 : memref<1x128xi32, #tpu.memory_space<hbm>>) dst(%arg5 : memref<1x128xi32, #tpu.memory_space<vmem>>)
      tpu.yield
    }) : () -> ()
    %dma_start3A = arith.constant 0 : i32
    %dma_start3A_5 = arith.constant 0 : i32
    %dma_start3A_6 = arith.constant 0 : i32
    %dma_start3A_7 = tpu.memref_slice %arg6[%dma_start3A_5, %dma_start3A_6] : memref<128x64xf32, #tpu.memory_space<vmem>> -> memref<128x64xf32, #tpu.memory_space<vmem>>
    %dma_start3A_8 = arith.constant 0 : i32
    %dma_start3A_9 = tpu.memref_slice %arg5[%dma_start3A, %dma_start3A_8] : memref<1x128xi32, #tpu.memory_space<vmem>> -> memref<1x128xi32, #tpu.memory_space<vmem>>
    %dma_start3A_10 = tpu.memref_squeeze %dma_start3A_9 : memref<1x128xi32, #tpu.memory_space<vmem>> -> memref<128xi32, #tpu.memory_space<vmem>>
    %dma_start3A_11 = arith.constant 0 : i32
    %dma_start3A_12 = arith.constant 0 : i32
    %dma_start3A_13 = tpu.memref_slice %arg7[%dma_start3A_11, %dma_start3A_12] : memref<1024x64xf32, #tpu.memory_space<vmem_shared>> -> memref<1024x64xf32, #tpu.memory_space<vmem_shared>>
    tpu.enqueue_indirect_dma source(%dma_start3A_13 : memref<1024x64xf32, #tpu.memory_space<vmem_shared>>) target(%dma_start3A_7 : memref<128x64xf32, #tpu.memory_space<vmem>>) offsets(%dma_start3A_10 : memref<128xi32, #tpu.memory_space<vmem>>) semaphore(%arg8 : memref<!tpu.dma_semaphore, #tpu.memory_space<semaphore_mem>>)
    %dma_wait3A = arith.constant 0 : i32
    %dma_wait3A_14 = arith.constant 0 : i32
    %dma_wait3A_15 = arith.constant 0 : i32
    %dma_wait3A_16 = tpu.memref_slice %arg6[%dma_wait3A_14, %dma_wait3A_15] : memref<128x64xf32, #tpu.memory_space<vmem>> -> memref<128x64xf32, #tpu.memory_space<vmem>>
    %dma_wait3A_17 = arith.constant 0 : i32
    %dma_wait3A_18 = tpu.memref_slice %arg5[%dma_wait3A, %dma_wait3A_17] : memref<1x128xi32, #tpu.memory_space<vmem>> -> memref<1x128xi32, #tpu.memory_space<vmem>>
    %dma_wait3A_19 = tpu.memref_squeeze %dma_wait3A_18 : memref<1x128xi32, #tpu.memory_space<vmem>> -> memref<128xi32, #tpu.memory_space<vmem>>
    %dma_wait3A_20 = arith.constant 0 : i32
    %dma_wait3A_21 = arith.constant 0 : i32
    %dma_wait3A_22 = tpu.memref_slice %arg7[%dma_wait3A_20, %dma_wait3A_21] : memref<1024x64xf32, #tpu.memory_space<vmem_shared>> -> memref<1024x64xf32, #tpu.memory_space<vmem_shared>>
    tpu.wait_indirect_dma semaphore(%arg8 : memref<!tpu.dma_semaphore, #tpu.memory_space<semaphore_mem>>) src(%dma_wait3A_22 : memref<1024x64xf32, #tpu.memory_space<vmem_shared>>) dst(%dma_wait3A_16 : memref<128x64xf32, #tpu.memory_space<vmem>>)
    %mul3A_23 = arith.constant 128 : i32
    %mul3A_24 = arith.muli %mul3A_2, %mul3A_23 : i32
    "tpu.region"() ({
      %run_scoped3A = tpu.sem_alloc : memref<!tpu.dma_semaphore, #tpu.memory_space<semaphore_mem>>
      %dma_start3A_25 = arith.constant 0 : i32
      %dma_start3A_26 = tpu.memref_slice %arg4[%mul3A_24, %dma_start3A_25] : memref<4096x64xf32, #tpu.memory_space<hbm>> -> memref<128x64xf32, #tpu.memory_space<hbm>>
      %dma_start3A_27 = arith.constant 0 : i32
      %dma_start3A_28 = tpu.memref_slice %arg4[%mul3A_24, %dma_start3A_27] : memref<4096x64xf32, #tpu.memory_space<hbm>> -> memref<128x64xf32, #tpu.memory_space<hbm>>
      tpu.enqueue_dma source(%arg6 : memref<128x64xf32, #tpu.memory_space<vmem>>) target(%dma_start3A_28 : memref<128x64xf32, #tpu.memory_space<hbm>>) target_semaphore(%run_scoped3A : memref<!tpu.dma_semaphore, #tpu.memory_space<semaphore_mem>>)
      %dma_wait3A_29 = arith.constant 0 : i32
      %dma_wait3A_30 = tpu.memref_slice %arg4[%mul3A_24, %dma_wait3A_29] : memref<4096x64xf32, #tpu.memory_space<hbm>> -> memref<128x64xf32, #tpu.memory_space<hbm>>
      %dma_wait3A_31 = arith.constant 0 : i32
      %dma_wait3A_32 = tpu.memref_slice %arg4[%mul3A_24, %dma_wait3A_31] : memref<4096x64xf32, #tpu.memory_space<hbm>> -> memref<128x64xf32, #tpu.memory_space<hbm>>
      tpu.wait_dma2 semaphore(%run_scoped3A : memref<!tpu.dma_semaphore, #tpu.memory_space<semaphore_mem>>) src(%arg6 : memref<128x64xf32, #tpu.memory_space<vmem>>) dst(%dma_wait3A_32 : memref<128x64xf32, #tpu.memory_space<hbm>>)
      tpu.yield
    }) : () -> ()
    return
  }
}

#map = affine_map<(d0, d1) -> (0, 0)>
module attributes {stable_mosaic.version = 14 : i64} {
  func.func @kern(%arg0: i32, %arg1: i32, %arg2: memref<1024x64xf32, #tpu.memory_space<hbm>>, %arg3: memref<128x128xi32, #tpu.memory_space<hbm>>, %arg4: memref<16384x64xf32, #tpu.memory_space<hbm>>, %arg5: memref<4x128xi32, #tpu.memory_space<vmem>>, %arg6: memref<512x64xf32, #tpu.memory_space<vmem>>, %arg7: memref<1024x64xf32, #tpu.memory_space<vmem_shared>>, %arg8: memref<!tpu.dma_semaphore, #tpu.memory_space<semaphore_mem>>) attributes {dimension_semantics = [#tpu.dimension_semantics<core_parallel>, #tpu.dimension_semantics<subcore_parallel>], iteration_bounds = array<i64: 2, 16>, scalar_prefetch = 0 : i64, scratch_operands = 4 : i64, tpu.core_type = #tpu.core_type<sc_vector_subcore>, window_params = [{transform_indices = #map}, {transform_indices = #map}, {transform_indices = #map}]} {
    %mul3A = arith.constant 2 : i32
    %mul3A_0 = arith.muli %arg1, %mul3A : i32
    %add3A = arith.addi %mul3A_0, %arg0 : i32
    %mul3A_1 = arith.constant 4 : i32
    %mul3A_2 = arith.muli %add3A, %mul3A_1 : i32
    %eq3A = arith.constant 0 : i32
    %eq3A_3 = arith.cmpi eq, %arg1, %eq3A : i32
    %convert_element_type3A = arith.extui %eq3A_3 : i1 to i32
    %cond3A = arith.constant 0 : i32
    %cond3A_4 = arith.cmpi ne, %convert_element_type3A, %cond3A : i32
    scf.if %cond3A_4 {
      "tpu.region"() ({
        %run_scoped3A = tpu.sem_alloc : memref<!tpu.dma_semaphore, #tpu.memory_space<semaphore_mem>>
        tpu.enqueue_dma source(%arg2 : memref<1024x64xf32, #tpu.memory_space<hbm>>) target(%arg7 : memref<1024x64xf32, #tpu.memory_space<vmem_shared>>) target_semaphore(%run_scoped3A : memref<!tpu.dma_semaphore, #tpu.memory_space<semaphore_mem>>)
        tpu.wait_dma2 semaphore(%run_scoped3A : memref<!tpu.dma_semaphore, #tpu.memory_space<semaphore_mem>>) src(%arg2 : memref<1024x64xf32, #tpu.memory_space<hbm>>) dst(%arg7 : memref<1024x64xf32, #tpu.memory_space<vmem_shared>>)
        tpu.yield
      }) : () -> ()
    } else {
    }
    %barrier3A = arith.constant 0 : index
    tpu.barrier barrier_id(%barrier3A)
    "tpu.region"() ({
      %run_scoped3A = tpu.sem_alloc : memref<!tpu.dma_semaphore, #tpu.memory_space<semaphore_mem>>
      %dma_start3A_85 = arith.constant 0 : i32
      %dma_start3A_86 = tpu.memref_slice %arg3[%mul3A_2, %dma_start3A_85] : memref<128x128xi32, #tpu.memory_space<hbm>> -> memref<4x128xi32, #tpu.memory_space<hbm>>
      %dma_start3A_87 = arith.constant 0 : i32
      %dma_start3A_88 = tpu.memref_slice %arg3[%mul3A_2, %dma_start3A_87] : memref<128x128xi32, #tpu.memory_space<hbm>> -> memref<4x128xi32, #tpu.memory_space<hbm>>
      tpu.enqueue_dma source(%dma_start3A_88 : memref<4x128xi32, #tpu.memory_space<hbm>>) target(%arg5 : memref<4x128xi32, #tpu.memory_space<vmem>>) target_semaphore(%run_scoped3A : memref<!tpu.dma_semaphore, #tpu.memory_space<semaphore_mem>>)
      %dma_wait3A_89 = arith.constant 0 : i32
      %dma_wait3A_90 = tpu.memref_slice %arg3[%mul3A_2, %dma_wait3A_89] : memref<128x128xi32, #tpu.memory_space<hbm>> -> memref<4x128xi32, #tpu.memory_space<hbm>>
      %dma_wait3A_91 = arith.constant 0 : i32
      %dma_wait3A_92 = tpu.memref_slice %arg3[%mul3A_2, %dma_wait3A_91] : memref<128x128xi32, #tpu.memory_space<hbm>> -> memref<4x128xi32, #tpu.memory_space<hbm>>
      tpu.wait_dma2 semaphore(%run_scoped3A : memref<!tpu.dma_semaphore, #tpu.memory_space<semaphore_mem>>) src(%dma_wait3A_92 : memref<4x128xi32, #tpu.memory_space<hbm>>) dst(%arg5 : memref<4x128xi32, #tpu.memory_space<vmem>>)
      tpu.yield
    }) : () -> ()
    %dma_start3A = arith.constant 0 : i32
    %dma_start3A_5 = arith.constant 0 : i32
    %dma_start3A_6 = arith.constant 0 : i32
    %dma_start3A_7 = tpu.memref_slice %arg6[%dma_start3A_5, %dma_start3A_6] : memref<512x64xf32, #tpu.memory_space<vmem>> -> memref<128x64xf32, #tpu.memory_space<vmem>>
    %dma_start3A_8 = arith.constant 0 : i32
    %dma_start3A_9 = tpu.memref_slice %arg5[%dma_start3A, %dma_start3A_8] : memref<4x128xi32, #tpu.memory_space<vmem>> -> memref<1x128xi32, #tpu.memory_space<vmem>>
    %dma_start3A_10 = tpu.memref_squeeze %dma_start3A_9 : memref<1x128xi32, #tpu.memory_space<vmem>> -> memref<128xi32, #tpu.memory_space<vmem>>
    %dma_start3A_11 = arith.constant 0 : i32
    %dma_start3A_12 = arith.constant 0 : i32
    %dma_start3A_13 = tpu.memref_slice %arg7[%dma_start3A_11, %dma_start3A_12] : memref<1024x64xf32, #tpu.memory_space<vmem_shared>> -> memref<1024x64xf32, #tpu.memory_space<vmem_shared>>
    tpu.enqueue_indirect_dma source(%dma_start3A_13 : memref<1024x64xf32, #tpu.memory_space<vmem_shared>>) target(%dma_start3A_7 : memref<128x64xf32, #tpu.memory_space<vmem>>) offsets(%dma_start3A_10 : memref<128xi32, #tpu.memory_space<vmem>>) semaphore(%arg8 : memref<!tpu.dma_semaphore, #tpu.memory_space<semaphore_mem>>)
    %dma_start3A_14 = arith.constant 1 : i32
    %dma_start3A_15 = arith.constant 128 : i32
    %dma_start3A_16 = arith.constant 0 : i32
    %dma_start3A_17 = tpu.memref_slice %arg6[%dma_start3A_15, %dma_start3A_16] : memref<512x64xf32, #tpu.memory_space<vmem>> -> memref<128x64xf32, #tpu.memory_space<vmem>>
    %dma_start3A_18 = arith.constant 0 : i32
    %dma_start3A_19 = tpu.memref_slice %arg5[%dma_start3A_14, %dma_start3A_18] : memref<4x128xi32, #tpu.memory_space<vmem>> -> memref<1x128xi32, #tpu.memory_space<vmem>>
    %dma_start3A_20 = tpu.memref_squeeze %dma_start3A_19 : memref<1x128xi32, #tpu.memory_space<vmem>> -> memref<128xi32, #tpu.memory_space<vmem>>
    %dma_start3A_21 = arith.constant 0 : i32
    %dma_start3A_22 = arith.constant 0 : i32
    %dma_start3A_23 = tpu.memref_slice %arg7[%dma_start3A_21, %dma_start3A_22] : memref<1024x64xf32, #tpu.memory_space<vmem_shared>> -> memref<1024x64xf32, #tpu.memory_space<vmem_shared>>
    tpu.enqueue_indirect_dma source(%dma_start3A_23 : memref<1024x64xf32, #tpu.memory_space<vmem_shared>>) target(%dma_start3A_17 : memref<128x64xf32, #tpu.memory_space<vmem>>) offsets(%dma_start3A_20 : memref<128xi32, #tpu.memory_space<vmem>>) semaphore(%arg8 : memref<!tpu.dma_semaphore, #tpu.memory_space<semaphore_mem>>)
    %dma_start3A_24 = arith.constant 2 : i32
    %dma_start3A_25 = arith.constant 256 : i32
    %dma_start3A_26 = arith.constant 0 : i32
    %dma_start3A_27 = tpu.memref_slice %arg6[%dma_start3A_25, %dma_start3A_26] : memref<512x64xf32, #tpu.memory_space<vmem>> -> memref<128x64xf32, #tpu.memory_space<vmem>>
    %dma_start3A_28 = arith.constant 0 : i32
    %dma_start3A_29 = tpu.memref_slice %arg5[%dma_start3A_24, %dma_start3A_28] : memref<4x128xi32, #tpu.memory_space<vmem>> -> memref<1x128xi32, #tpu.memory_space<vmem>>
    %dma_start3A_30 = tpu.memref_squeeze %dma_start3A_29 : memref<1x128xi32, #tpu.memory_space<vmem>> -> memref<128xi32, #tpu.memory_space<vmem>>
    %dma_start3A_31 = arith.constant 0 : i32
    %dma_start3A_32 = arith.constant 0 : i32
    %dma_start3A_33 = tpu.memref_slice %arg7[%dma_start3A_31, %dma_start3A_32] : memref<1024x64xf32, #tpu.memory_space<vmem_shared>> -> memref<1024x64xf32, #tpu.memory_space<vmem_shared>>
    tpu.enqueue_indirect_dma source(%dma_start3A_33 : memref<1024x64xf32, #tpu.memory_space<vmem_shared>>) target(%dma_start3A_27 : memref<128x64xf32, #tpu.memory_space<vmem>>) offsets(%dma_start3A_30 : memref<128xi32, #tpu.memory_space<vmem>>) semaphore(%arg8 : memref<!tpu.dma_semaphore, #tpu.memory_space<semaphore_mem>>)
    %dma_start3A_34 = arith.constant 3 : i32
    %dma_start3A_35 = arith.constant 384 : i32
    %dma_start3A_36 = arith.constant 0 : i32
    %dma_start3A_37 = tpu.memref_slice %arg6[%dma_start3A_35, %dma_start3A_36] : memref<512x64xf32, #tpu.memory_space<vmem>> -> memref<128x64xf32, #tpu.memory_space<vmem>>
    %dma_start3A_38 = arith.constant 0 : i32
    %dma_start3A_39 = tpu.memref_slice %arg5[%dma_start3A_34, %dma_start3A_38] : memref<4x128xi32, #tpu.memory_space<vmem>> -> memref<1x128xi32, #tpu.memory_space<vmem>>
    %dma_start3A_40 = tpu.memref_squeeze %dma_start3A_39 : memref<1x128xi32, #tpu.memory_space<vmem>> -> memref<128xi32, #tpu.memory_space<vmem>>
    %dma_start3A_41 = arith.constant 0 : i32
    %dma_start3A_42 = arith.constant 0 : i32
    %dma_start3A_43 = tpu.memref_slice %arg7[%dma_start3A_41, %dma_start3A_42] : memref<1024x64xf32, #tpu.memory_space<vmem_shared>> -> memref<1024x64xf32, #tpu.memory_space<vmem_shared>>
    tpu.enqueue_indirect_dma source(%dma_start3A_43 : memref<1024x64xf32, #tpu.memory_space<vmem_shared>>) target(%dma_start3A_37 : memref<128x64xf32, #tpu.memory_space<vmem>>) offsets(%dma_start3A_40 : memref<128xi32, #tpu.memory_space<vmem>>) semaphore(%arg8 : memref<!tpu.dma_semaphore, #tpu.memory_space<semaphore_mem>>)
    %dma_wait3A = arith.constant 0 : i32
    %dma_wait3A_44 = arith.constant 0 : i32
    %dma_wait3A_45 = arith.constant 0 : i32
    %dma_wait3A_46 = tpu.memref_slice %arg6[%dma_wait3A_44, %dma_wait3A_45] : memref<512x64xf32, #tpu.memory_space<vmem>> -> memref<128x64xf32, #tpu.memory_space<vmem>>
    %dma_wait3A_47 = arith.constant 0 : i32
    %dma_wait3A_48 = tpu.memref_slice %arg5[%dma_wait3A, %dma_wait3A_47] : memref<4x128xi32, #tpu.memory_space<vmem>> -> memref<1x128xi32, #tpu.memory_space<vmem>>
    %dma_wait3A_49 = tpu.memref_squeeze %dma_wait3A_48 : memref<1x128xi32, #tpu.memory_space<vmem>> -> memref<128xi32, #tpu.memory_space<vmem>>
    %dma_wait3A_50 = arith.constant 0 : i32
    %dma_wait3A_51 = arith.constant 0 : i32
    %dma_wait3A_52 = tpu.memref_slice %arg7[%dma_wait3A_50, %dma_wait3A_51] : memref<1024x64xf32, #tpu.memory_space<vmem_shared>> -> memref<1024x64xf32, #tpu.memory_space<vmem_shared>>
    tpu.wait_indirect_dma semaphore(%arg8 : memref<!tpu.dma_semaphore, #tpu.memory_space<semaphore_mem>>) src(%dma_wait3A_52 : memref<1024x64xf32, #tpu.memory_space<vmem_shared>>) dst(%dma_wait3A_46 : memref<128x64xf32, #tpu.memory_space<vmem>>)
    %dma_wait3A_53 = arith.constant 1 : i32
    %dma_wait3A_54 = arith.constant 128 : i32
    %dma_wait3A_55 = arith.constant 0 : i32
    %dma_wait3A_56 = tpu.memref_slice %arg6[%dma_wait3A_54, %dma_wait3A_55] : memref<512x64xf32, #tpu.memory_space<vmem>> -> memref<128x64xf32, #tpu.memory_space<vmem>>
    %dma_wait3A_57 = arith.constant 0 : i32
    %dma_wait3A_58 = tpu.memref_slice %arg5[%dma_wait3A_53, %dma_wait3A_57] : memref<4x128xi32, #tpu.memory_space<vmem>> -> memref<1x128xi32, #tpu.memory_space<vmem>>
    %dma_wait3A_59 = tpu.memref_squeeze %dma_wait3A_58 : memref<1x128xi32, #tpu.memory_space<vmem>> -> memref<128xi32, #tpu.memory_space<vmem>>
    %dma_wait3A_60 = arith.constant 0 : i32
    %dma_wait3A_61 = arith.constant 0 : i32
    %dma_wait3A_62 = tpu.memref_slice %arg7[%dma_wait3A_60, %dma_wait3A_61] : memref<1024x64xf32, #tpu.memory_space<vmem_shared>> -> memref<1024x64xf32, #tpu.memory_space<vmem_shared>>
    tpu.wait_indirect_dma semaphore(%arg8 : memref<!tpu.dma_semaphore, #tpu.memory_space<semaphore_mem>>) src(%dma_wait3A_62 : memref<1024x64xf32, #tpu.memory_space<vmem_shared>>) dst(%dma_wait3A_56 : memref<128x64xf32, #tpu.memory_space<vmem>>)
    %dma_wait3A_63 = arith.constant 2 : i32
    %dma_wait3A_64 = arith.constant 256 : i32
    %dma_wait3A_65 = arith.constant 0 : i32
    %dma_wait3A_66 = tpu.memref_slice %arg6[%dma_wait3A_64, %dma_wait3A_65] : memref<512x64xf32, #tpu.memory_space<vmem>> -> memref<128x64xf32, #tpu.memory_space<vmem>>
    %dma_wait3A_67 = arith.constant 0 : i32
    %dma_wait3A_68 = tpu.memref_slice %arg5[%dma_wait3A_63, %dma_wait3A_67] : memref<4x128xi32, #tpu.memory_space<vmem>> -> memref<1x128xi32, #tpu.memory_space<vmem>>
    %dma_wait3A_69 = tpu.memref_squeeze %dma_wait3A_68 : memref<1x128xi32, #tpu.memory_space<vmem>> -> memref<128xi32, #tpu.memory_space<vmem>>
    %dma_wait3A_70 = arith.constant 0 : i32
    %dma_wait3A_71 = arith.constant 0 : i32
    %dma_wait3A_72 = tpu.memref_slice %arg7[%dma_wait3A_70, %dma_wait3A_71] : memref<1024x64xf32, #tpu.memory_space<vmem_shared>> -> memref<1024x64xf32, #tpu.memory_space<vmem_shared>>
    tpu.wait_indirect_dma semaphore(%arg8 : memref<!tpu.dma_semaphore, #tpu.memory_space<semaphore_mem>>) src(%dma_wait3A_72 : memref<1024x64xf32, #tpu.memory_space<vmem_shared>>) dst(%dma_wait3A_66 : memref<128x64xf32, #tpu.memory_space<vmem>>)
    %dma_wait3A_73 = arith.constant 3 : i32
    %dma_wait3A_74 = arith.constant 384 : i32
    %dma_wait3A_75 = arith.constant 0 : i32
    %dma_wait3A_76 = tpu.memref_slice %arg6[%dma_wait3A_74, %dma_wait3A_75] : memref<512x64xf32, #tpu.memory_space<vmem>> -> memref<128x64xf32, #tpu.memory_space<vmem>>
    %dma_wait3A_77 = arith.constant 0 : i32
    %dma_wait3A_78 = tpu.memref_slice %arg5[%dma_wait3A_73, %dma_wait3A_77] : memref<4x128xi32, #tpu.memory_space<vmem>> -> memref<1x128xi32, #tpu.memory_space<vmem>>
    %dma_wait3A_79 = tpu.memref_squeeze %dma_wait3A_78 : memref<1x128xi32, #tpu.memory_space<vmem>> -> memref<128xi32, #tpu.memory_space<vmem>>
    %dma_wait3A_80 = arith.constant 0 : i32
    %dma_wait3A_81 = arith.constant 0 : i32
    %dma_wait3A_82 = tpu.memref_slice %arg7[%dma_wait3A_80, %dma_wait3A_81] : memref<1024x64xf32, #tpu.memory_space<vmem_shared>> -> memref<1024x64xf32, #tpu.memory_space<vmem_shared>>
    tpu.wait_indirect_dma semaphore(%arg8 : memref<!tpu.dma_semaphore, #tpu.memory_space<semaphore_mem>>) src(%dma_wait3A_82 : memref<1024x64xf32, #tpu.memory_space<vmem_shared>>) dst(%dma_wait3A_76 : memref<128x64xf32, #tpu.memory_space<vmem>>)
    %mul3A_83 = arith.constant 128 : i32
    %mul3A_84 = arith.muli %mul3A_2, %mul3A_83 : i32
    "tpu.region"() ({
      %run_scoped3A = tpu.sem_alloc : memref<!tpu.dma_semaphore, #tpu.memory_space<semaphore_mem>>
      %dma_start3A_85 = arith.constant 0 : i32
      %dma_start3A_86 = tpu.memref_slice %arg4[%mul3A_84, %dma_start3A_85] : memref<16384x64xf32, #tpu.memory_space<hbm>> -> memref<512x64xf32, #tpu.memory_space<hbm>>
      %dma_start3A_87 = arith.constant 0 : i32
      %dma_start3A_88 = tpu.memref_slice %arg4[%mul3A_84, %dma_start3A_87] : memref<16384x64xf32, #tpu.memory_space<hbm>> -> memref<512x64xf32, #tpu.memory_space<hbm>>
      tpu.enqueue_dma source(%arg6 : memref<512x64xf32, #tpu.memory_space<vmem>>) target(%dma_start3A_88 : memref<512x64xf32, #tpu.memory_space<hbm>>) target_semaphore(%run_scoped3A : memref<!tpu.dma_semaphore, #tpu.memory_space<semaphore_mem>>)
      %dma_wait3A_89 = arith.constant 0 : i32
      %dma_wait3A_90 = tpu.memref_slice %arg4[%mul3A_84, %dma_wait3A_89] : memref<16384x64xf32, #tpu.memory_space<hbm>> -> memref<512x64xf32, #tpu.memory_space<hbm>>
      %dma_wait3A_91 = arith.constant 0 : i32
      %dma_wait3A_92 = tpu.memref_slice %arg4[%mul3A_84, %dma_wait3A_91] : memref<16384x64xf32, #tpu.memory_space<hbm>> -> memref<512x64xf32, #tpu.memory_space<hbm>>
      tpu.wait_dma2 semaphore(%run_scoped3A : memref<!tpu.dma_semaphore, #tpu.memory_space<semaphore_mem>>) src(%arg6 : memref<512x64xf32, #tpu.memory_space<vmem>>) dst(%dma_wait3A_92 : memref<512x64xf32, #tpu.memory_space<hbm>>)
      tpu.yield
    }) : () -> ()
    return
  }
}

module attributes {stable_mosaic.version = 14 : i64} {
  func.func @_vq_body(%arg0: i32, %arg1: memref<1664x64xf32, #tpu.memory_space<vmem>>, %arg2: memref<64x512xf32, #tpu.memory_space<vmem>>, %arg3: memref<1x1x1664xi32, #tpu.memory_space<vmem>>, %arg4: memref<1x1xf32, #tpu.memory_space<vmem>>) attributes {dimension_semantics = [#tpu.dimension_semantics<arbitrary>], iteration_bounds = array<i64: 1>, scalar_prefetch = 0 : i64, scratch_operands = 0 : i64, tpu.core_type = #tpu.core_type<tc>, window_params = [{transform_indices = @transform_0, window_bounds = array<i64: 1664, 64>}, {pipeline_mode = #tpu.pipeline_mode<synchronous>, transform_indices = @transform_1, window_bounds = array<i64: 64, 512>}, {transform_indices = @transform_2, window_bounds = array<i64: 1, 1, 1664>}, {pipeline_mode = #tpu.pipeline_mode<synchronous>, transform_indices = @transform_3, window_bounds = array<i64: 1, 1>}]} {
    %get3A = arith.constant 0 : index
    %get3A_0 = arith.constant 0 : index
    %get3A_1 = vector.load %arg1[%get3A, %get3A_0] : memref<1664x64xf32, #tpu.memory_space<vmem>>, vector<1664x64xf32>
    %get3A_2 = arith.constant 0 : index
    %get3A_3 = arith.constant 0 : index
    %get3A_4 = vector.load %arg2[%get3A_2, %get3A_3] : memref<64x512xf32, #tpu.memory_space<vmem>>, vector<64x512xf32>
    %dot_general3A = arith.constant dense<0.000000e+00> : vector<1664x512xf32>
    %dot_general3A_5 = tpu.matmul %get3A_1, %get3A_4, %dot_general3A {dimension_numbers = #tpu.dot_dimension_numbers<[1], [0], [0], [1], [0, 0, 1, 1], [], []>, transpose_lhs_hint = false} : vector<1664x64xf32>, vector<64x512xf32>, vector<1664x512xf32> -> vector<1664x512xf32>
    %mul3A = arith.mulf %get3A_1, %get3A_1 : vector<1664x64xf32>
    %reduce_sum3A = arith.constant dense<0.000000e+00> : vector<1664xf32>
    %reduce_sum3A_6 = vector.multi_reduction <add>, %mul3A, %reduce_sum3A [1] : vector<1664x64xf32> to vector<1664xf32>
    %broadcast_in_dim3A = vector.shape_cast %reduce_sum3A_6 : vector<1664xf32> to vector<1664x1xf32>
    %mul3A_7 = arith.mulf %get3A_4, %get3A_4 : vector<64x512xf32>
    %reduce_sum3A_8 = arith.constant dense<0.000000e+00> : vector<512xf32>
    %reduce_sum3A_9 = vector.multi_reduction <add>, %mul3A_7, %reduce_sum3A_8 [0] : vector<64x512xf32> to vector<512xf32>
    %broadcast_in_dim3A_10 = vector.shape_cast %reduce_sum3A_9 : vector<512xf32> to vector<1x512xf32>
    %mul3A_11 = arith.constant 2.000000e+00 : f32
    %mul3A_12 = vector.broadcast %mul3A_11 : f32 to vector<1664x512xf32>
    %mul3A_13 = arith.mulf %mul3A_12, %dot_general3A_5 : vector<1664x512xf32>
    %sub3A = vector.broadcast %broadcast_in_dim3A : vector<1664x1xf32> to vector<1664x512xf32>
    %sub3A_14 = arith.subf %sub3A, %mul3A_13 : vector<1664x512xf32>
    %add3A = vector.broadcast %broadcast_in_dim3A_10 : vector<1x512xf32> to vector<1664x512xf32>
    %add3A_15 = arith.addf %sub3A_14, %add3A : vector<1664x512xf32>
    %reduce_min3A = arith.constant dense<0x7F800000> : vector<1664xf32>
    %reduce_min3A_16 = vector.multi_reduction <minimumf>, %add3A_15, %reduce_min3A [1] : vector<1664x512xf32> to vector<1664xf32>
    %broadcast_in_dim3A_17 = vector.shape_cast %reduce_min3A_16 : vector<1664xf32> to vector<1664x1xf32>
    %iota3A = tpu.iota {dimensions = array<i32: 1>} : vector<1664x512xi32>
    %le3A = vector.broadcast %broadcast_in_dim3A_17 : vector<1664x1xf32> to vector<1664x512xf32>
    %le3A_18 = arith.cmpf ole, %add3A_15, %le3A : vector<1664x512xf32>
    %jit3A = arith.constant 512 : i32
    %broadcast_in_dim3A_19 = vector.broadcast %jit3A : i32 to vector<1664x512xi32>
    %select_n3A = arith.select %le3A_18, %iota3A, %broadcast_in_dim3A_19 : vector<1664x512xi1>, vector<1664x512xi32>
    %reduce_min3A_20 = arith.constant dense<2147483647> : vector<1664xi32>
    %reduce_min3A_21 = vector.multi_reduction <minsi>, %select_n3A, %reduce_min3A_20 [1] : vector<1664x512xi32> to vector<1664xi32>
    %add3A_22 = arith.constant 0 : i32
    %add3A_23 = vector.broadcast %add3A_22 : i32 to vector<1664xi32>
    %add3A_24 = arith.addi %reduce_min3A_21, %add3A_23 : vector<1664xi32>
    %swap3A = arith.constant 0 : index
    %swap3A_25 = arith.constant 0 : index
    %swap3A_26 = arith.constant 0 : index
    %swap3A_27 = vector.load %arg3[%swap3A, %swap3A_25, %swap3A_26] : memref<1x1x1664xi32, #tpu.memory_space<vmem>>, vector<1x1x1664xi32>
    %swap3A_28 = vector.shape_cast %swap3A_27 : vector<1x1x1664xi32> to vector<1664xi32>
    %swap3A_29 = vector.shape_cast %add3A_24 : vector<1664xi32> to vector<1x1x1664xi32>
    tpu.vector_store %arg3[%swap3A, %swap3A_25, %swap3A_26], %swap3A_29 {strides = array<i32>} : memref<1x1x1664xi32, #tpu.memory_space<vmem>>, vector<1x1x1664xi32>,
    %iota3A_30 = tpu.iota {dimensions = array<i32: 0>} : vector<1664x1xi32>
    %mul3A_31 = arith.constant 1664 : i32
    %mul3A_32 = arith.muli %arg0, %mul3A_31 : i32
    %add3A_33 = vector.broadcast %mul3A_32 : i32 to vector<1664x1xi32>
    %add3A_34 = arith.addi %iota3A_30, %add3A_33 : vector<1664x1xi32>
    %lt3A = arith.constant 1568 : i32
    %lt3A_35 = vector.broadcast %lt3A : i32 to vector<1664x1xi32>
    %lt3A_36 = arith.cmpi slt, %add3A_34, %lt3A_35 : vector<1664x1xi32>
    %max3A = arith.constant 0.000000e+00 : f32
    %max3A_37 = vector.broadcast %max3A : f32 to vector<1664x1xf32>
    %max3A_38 = arith.maximumf %broadcast_in_dim3A_17, %max3A_37 : vector<1664x1xf32>
    %jit3A_39 = arith.constant 0.000000e+00 : f32
    %broadcast_in_dim3A_40 = vector.broadcast %jit3A_39 : f32 to vector<1664x1xf32>
    %select_n3A_41 = arith.select %lt3A_36, %max3A_38, %broadcast_in_dim3A_40 : vector<1664x1xi1>, vector<1664x1xf32>
    %eq3A = arith.constant 0 : i32
    %eq3A_42 = arith.cmpi eq, %arg0, %eq3A : i32
    %convert_element_type3A = arith.extui %eq3A_42 : i1 to i32
    %cond3A = arith.constant 0 : i32
    %cond3A_43 = arith.cmpi ne, %convert_element_type3A, %cond3A : i32
    scf.if %cond3A_43 {
      %broadcast_in_dim3A_56 = arith.constant 0.000000e+00 : f32
      %broadcast_in_dim3A_57 = vector.broadcast %broadcast_in_dim3A_56 : f32 to vector<1x1xf32>
      %swap3A_58 = arith.constant 0 : index
      %swap3A_59 = arith.constant 0 : index
      %swap3A_60 = vector.load %arg4[%swap3A_58, %swap3A_59] : memref<1x1xf32, #tpu.memory_space<vmem>>, vector<1x1xf32>
      tpu.vector_store %arg4[%swap3A_58, %swap3A_59], %broadcast_in_dim3A_57 {strides = array<i32>} : memref<1x1xf32, #tpu.memory_space<vmem>>, vector<1x1xf32>,
    } else {
    }
    %get3A_44 = arith.constant 0 : index
    %get3A_45 = arith.constant 0 : index
    %get3A_46 = vector.load %arg4[%get3A_44, %get3A_45] : memref<1x1xf32, #tpu.memory_space<vmem>>, vector<1x1xf32>
    %reduce_sum3A_47 = vector.shape_cast %select_n3A_41 : vector<1664x1xf32> to vector<1x1664x1xf32>
    %reduce_sum3A_48 = arith.constant dense<0.000000e+00> : vector<1xf32>
    %reduce_sum3A_49 = vector.multi_reduction <add>, %reduce_sum3A_47, %reduce_sum3A_48 [1, 2] : vector<1x1664x1xf32> to vector<1xf32>
    %reduce_sum3A_50 = vector.shape_cast %reduce_sum3A_49 : vector<1xf32> to vector<1x1x1xf32>
    %reduce_sum3A_51 = vector.extract %reduce_sum3A_50[0, 0, 0] : f32 from vector<1x1x1xf32>
    %reshape3A = vector.broadcast %reduce_sum3A_51 : f32 to vector<1x1xf32>
    %add3A_52 = arith.addf %get3A_46, %reshape3A : vector<1x1xf32>
    %swap3A_53 = arith.constant 0 : index
    %swap3A_54 = arith.constant 0 : index
    %swap3A_55 = vector.load %arg4[%swap3A_53, %swap3A_54] : memref<1x1xf32, #tpu.memory_space<vmem>>, vector<1x1xf32>
    tpu.vector_store %arg4[%swap3A_53, %swap3A_54], %add3A_52 {strides = array<i32>} : memref<1x1xf32, #tpu.memory_space<vmem>>, vector<1x1xf32>,
    return
  }
  func.func @transform_0(%arg0: i32) -> (i32, i32) {
    %c0_i32 = arith.constant 0 : i32
    %c0_i32_0 = arith.constant 0 : i32
    return %arg0, %c0_i32 : i32, i32
  }
  func.func @transform_1(%arg0: i32) -> (i32, i32) {
    %c0_i32 = arith.constant 0 : i32
    %c0_i32_0 = arith.constant 0 : i32
    %c0_i32_1 = arith.constant 0 : i32
    return %c0_i32, %c0_i32_0 : i32, i32
  }
  func.func @transform_2(%arg0: i32) -> (i32, i32, i32) {
    %c0_i32 = arith.constant 0 : i32
    %c0_i32_0 = arith.constant 0 : i32
    %c0_i32_1 = arith.constant 0 : i32
    return %arg0, %c0_i32, %c0_i32_0 : i32, i32, i32
  }
  func.func @transform_3(%arg0: i32) -> (i32, i32) {
    %c0_i32 = arith.constant 0 : i32
    %c0_i32_0 = arith.constant 0 : i32
    %c0_i32_1 = arith.constant 0 : i32
    return %c0_i32, %c0_i32_0 : i32, i32
  }
}

module attributes {stable_mosaic.version = 14 : i64} {
  func.func @_vq_body(%arg0: i32, %arg1: memref<1664x64xf32, #tpu.memory_space<vmem>>, %arg2: memref<64x512xf32, #tpu.memory_space<vmem>>, %arg3: memref<1x1x1664xi32, #tpu.memory_space<vmem>>, %arg4: memref<1x1xf32, #tpu.memory_space<vmem>>) attributes {dimension_semantics = [#tpu.dimension_semantics<arbitrary>], iteration_bounds = array<i64: 1>, scalar_prefetch = 0 : i64, scratch_operands = 0 : i64, tpu.core_type = #tpu.core_type<tc>, window_params = [{transform_indices = @transform_0, window_bounds = array<i64: 1664, 64>}, {pipeline_mode = #tpu.pipeline_mode<synchronous>, transform_indices = @transform_1, window_bounds = array<i64: 64, 512>}, {transform_indices = @transform_2, window_bounds = array<i64: 1, 1, 1664>}, {pipeline_mode = #tpu.pipeline_mode<synchronous>, transform_indices = @transform_3, window_bounds = array<i64: 1, 1>}]} {
    %get3A = arith.constant 0 : index
    %get3A_0 = arith.constant 0 : index
    %get3A_1 = vector.load %arg1[%get3A, %get3A_0] : memref<1664x64xf32, #tpu.memory_space<vmem>>, vector<1664x64xf32>
    %get3A_2 = arith.constant 0 : index
    %get3A_3 = arith.constant 0 : index
    %get3A_4 = vector.load %arg2[%get3A_2, %get3A_3] : memref<64x512xf32, #tpu.memory_space<vmem>>, vector<64x512xf32>
    %dot_general3A = arith.constant dense<0.000000e+00> : vector<1664x512xf32>
    %dot_general3A_5 = tpu.matmul %get3A_1, %get3A_4, %dot_general3A {dimension_numbers = #tpu.dot_dimension_numbers<[1], [0], [0], [1], [0, 0, 1, 1], [], []>, transpose_lhs_hint = false} : vector<1664x64xf32>, vector<64x512xf32>, vector<1664x512xf32> -> vector<1664x512xf32>
    %mul3A = arith.mulf %get3A_1, %get3A_1 : vector<1664x64xf32>
    %reduce_sum3A = arith.constant dense<0.000000e+00> : vector<1664xf32>
    %reduce_sum3A_6 = vector.multi_reduction <add>, %mul3A, %reduce_sum3A [1] : vector<1664x64xf32> to vector<1664xf32>
    %broadcast_in_dim3A = vector.shape_cast %reduce_sum3A_6 : vector<1664xf32> to vector<1664x1xf32>
    %mul3A_7 = arith.mulf %get3A_4, %get3A_4 : vector<64x512xf32>
    %reduce_sum3A_8 = arith.constant dense<0.000000e+00> : vector<512xf32>
    %reduce_sum3A_9 = vector.multi_reduction <add>, %mul3A_7, %reduce_sum3A_8 [0] : vector<64x512xf32> to vector<512xf32>
    %broadcast_in_dim3A_10 = vector.shape_cast %reduce_sum3A_9 : vector<512xf32> to vector<1x512xf32>
    %mul3A_11 = arith.constant 2.000000e+00 : f32
    %mul3A_12 = vector.broadcast %mul3A_11 : f32 to vector<1664x512xf32>
    %mul3A_13 = arith.mulf %mul3A_12, %dot_general3A_5 : vector<1664x512xf32>
    %sub3A = vector.broadcast %broadcast_in_dim3A : vector<1664x1xf32> to vector<1664x512xf32>
    %sub3A_14 = arith.subf %sub3A, %mul3A_13 : vector<1664x512xf32>
    %add3A = vector.broadcast %broadcast_in_dim3A_10 : vector<1x512xf32> to vector<1664x512xf32>
    %add3A_15 = arith.addf %sub3A_14, %add3A : vector<1664x512xf32>
    %reduce_min3A = arith.constant dense<0x7F800000> : vector<1664xf32>
    %reduce_min3A_16 = vector.multi_reduction <minimumf>, %add3A_15, %reduce_min3A [1] : vector<1664x512xf32> to vector<1664xf32>
    %broadcast_in_dim3A_17 = vector.shape_cast %reduce_min3A_16 : vector<1664xf32> to vector<1664x1xf32>
    %iota3A = tpu.iota {dimensions = array<i32: 1>} : vector<1664x512xi32>
    %le3A = vector.broadcast %broadcast_in_dim3A_17 : vector<1664x1xf32> to vector<1664x512xf32>
    %le3A_18 = arith.cmpf ole, %add3A_15, %le3A : vector<1664x512xf32>
    %jit3A = arith.constant 512 : i32
    %broadcast_in_dim3A_19 = vector.broadcast %jit3A : i32 to vector<1664x512xi32>
    %select_n3A = arith.select %le3A_18, %iota3A, %broadcast_in_dim3A_19 : vector<1664x512xi1>, vector<1664x512xi32>
    %reduce_min3A_20 = arith.constant dense<2147483647> : vector<1664xi32>
    %reduce_min3A_21 = vector.multi_reduction <minsi>, %select_n3A, %reduce_min3A_20 [1] : vector<1664x512xi32> to vector<1664xi32>
    %add3A_22 = arith.constant 512 : i32
    %add3A_23 = vector.broadcast %add3A_22 : i32 to vector<1664xi32>
    %add3A_24 = arith.addi %reduce_min3A_21, %add3A_23 : vector<1664xi32>
    %swap3A = arith.constant 0 : index
    %swap3A_25 = arith.constant 0 : index
    %swap3A_26 = arith.constant 0 : index
    %swap3A_27 = vector.load %arg3[%swap3A, %swap3A_25, %swap3A_26] : memref<1x1x1664xi32, #tpu.memory_space<vmem>>, vector<1x1x1664xi32>
    %swap3A_28 = vector.shape_cast %swap3A_27 : vector<1x1x1664xi32> to vector<1664xi32>
    %swap3A_29 = vector.shape_cast %add3A_24 : vector<1664xi32> to vector<1x1x1664xi32>
    tpu.vector_store %arg3[%swap3A, %swap3A_25, %swap3A_26], %swap3A_29 {strides = array<i32>} : memref<1x1x1664xi32, #tpu.memory_space<vmem>>, vector<1x1x1664xi32>,
    %iota3A_30 = tpu.iota {dimensions = array<i32: 0>} : vector<1664x1xi32>
    %mul3A_31 = arith.constant 1664 : i32
    %mul3A_32 = arith.muli %arg0, %mul3A_31 : i32
    %add3A_33 = vector.broadcast %mul3A_32 : i32 to vector<1664x1xi32>
    %add3A_34 = arith.addi %iota3A_30, %add3A_33 : vector<1664x1xi32>
    %lt3A = arith.constant 1568 : i32
    %lt3A_35 = vector.broadcast %lt3A : i32 to vector<1664x1xi32>
    %lt3A_36 = arith.cmpi slt, %add3A_34, %lt3A_35 : vector<1664x1xi32>
    %max3A = arith.constant 0.000000e+00 : f32
    %max3A_37 = vector.broadcast %max3A : f32 to vector<1664x1xf32>
    %max3A_38 = arith.maximumf %broadcast_in_dim3A_17, %max3A_37 : vector<1664x1xf32>
    %jit3A_39 = arith.constant 0.000000e+00 : f32
    %broadcast_in_dim3A_40 = vector.broadcast %jit3A_39 : f32 to vector<1664x1xf32>
    %select_n3A_41 = arith.select %lt3A_36, %max3A_38, %broadcast_in_dim3A_40 : vector<1664x1xi1>, vector<1664x1xf32>
    %eq3A = arith.constant 0 : i32
    %eq3A_42 = arith.cmpi eq, %arg0, %eq3A : i32
    %convert_element_type3A = arith.extui %eq3A_42 : i1 to i32
    %cond3A = arith.constant 0 : i32
    %cond3A_43 = arith.cmpi ne, %convert_element_type3A, %cond3A : i32
    scf.if %cond3A_43 {
      %broadcast_in_dim3A_56 = arith.constant 0.000000e+00 : f32
      %broadcast_in_dim3A_57 = vector.broadcast %broadcast_in_dim3A_56 : f32 to vector<1x1xf32>
      %swap3A_58 = arith.constant 0 : index
      %swap3A_59 = arith.constant 0 : index
      %swap3A_60 = vector.load %arg4[%swap3A_58, %swap3A_59] : memref<1x1xf32, #tpu.memory_space<vmem>>, vector<1x1xf32>
      tpu.vector_store %arg4[%swap3A_58, %swap3A_59], %broadcast_in_dim3A_57 {strides = array<i32>} : memref<1x1xf32, #tpu.memory_space<vmem>>, vector<1x1xf32>,
    } else {
    }
    %get3A_44 = arith.constant 0 : index
    %get3A_45 = arith.constant 0 : index
    %get3A_46 = vector.load %arg4[%get3A_44, %get3A_45] : memref<1x1xf32, #tpu.memory_space<vmem>>, vector<1x1xf32>
    %reduce_sum3A_47 = vector.shape_cast %select_n3A_41 : vector<1664x1xf32> to vector<1x1664x1xf32>
    %reduce_sum3A_48 = arith.constant dense<0.000000e+00> : vector<1xf32>
    %reduce_sum3A_49 = vector.multi_reduction <add>, %reduce_sum3A_47, %reduce_sum3A_48 [1, 2] : vector<1x1664x1xf32> to vector<1xf32>
    %reduce_sum3A_50 = vector.shape_cast %reduce_sum3A_49 : vector<1xf32> to vector<1x1x1xf32>
    %reduce_sum3A_51 = vector.extract %reduce_sum3A_50[0, 0, 0] : f32 from vector<1x1x1xf32>
    %reshape3A = vector.broadcast %reduce_sum3A_51 : f32 to vector<1x1xf32>
    %add3A_52 = arith.addf %get3A_46, %reshape3A : vector<1x1xf32>
    %swap3A_53 = arith.constant 0 : index
    %swap3A_54 = arith.constant 0 : index
    %swap3A_55 = vector.load %arg4[%swap3A_53, %swap3A_54] : memref<1x1xf32, #tpu.memory_space<vmem>>, vector<1x1xf32>
    tpu.vector_store %arg4[%swap3A_53, %swap3A_54], %add3A_52 {strides = array<i32>} : memref<1x1xf32, #tpu.memory_space<vmem>>, vector<1x1xf32>,
    return
  }
  func.func @transform_0(%arg0: i32) -> (i32, i32) {
    %c0_i32 = arith.constant 0 : i32
    %c0_i32_0 = arith.constant 0 : i32
    return %arg0, %c0_i32 : i32, i32
  }
  func.func @transform_1(%arg0: i32) -> (i32, i32) {
    %c0_i32 = arith.constant 0 : i32
    %c0_i32_0 = arith.constant 0 : i32
    %c0_i32_1 = arith.constant 0 : i32
    return %c0_i32, %c0_i32_0 : i32, i32
  }
  func.func @transform_2(%arg0: i32) -> (i32, i32, i32) {
    %c0_i32 = arith.constant 0 : i32
    %c0_i32_0 = arith.constant 0 : i32
    %c0_i32_1 = arith.constant 0 : i32
    return %arg0, %c0_i32, %c0_i32_0 : i32, i32, i32
  }
  func.func @transform_3(%arg0: i32) -> (i32, i32) {
    %c0_i32 = arith.constant 0 : i32
    %c0_i32_0 = arith.constant 0 : i32
    %c0_i32_1 = arith.constant 0 : i32
    return %c0_i32, %c0_i32_0 : i32, i32
  }
}

module attributes {stable_mosaic.version = 14 : i64} {
  func.func @_vq_body(%arg0: i32, %arg1: memref<896x64xf32, #tpu.memory_space<vmem>>, %arg2: memref<64x512xf32, #tpu.memory_space<vmem>>, %arg3: memref<1x1x896xi32, #tpu.memory_space<vmem>>, %arg4: memref<1x1xf32, #tpu.memory_space<vmem>>) attributes {dimension_semantics = [#tpu.dimension_semantics<arbitrary>], iteration_bounds = array<i64: 7>, scalar_prefetch = 0 : i64, scratch_operands = 0 : i64, tpu.core_type = #tpu.core_type<tc>, window_params = [{transform_indices = @transform_0, window_bounds = array<i64: 896, 64>}, {pipeline_mode = #tpu.pipeline_mode<synchronous>, transform_indices = @transform_1, window_bounds = array<i64: 64, 512>}, {transform_indices = @transform_2, window_bounds = array<i64: 1, 1, 896>}, {pipeline_mode = #tpu.pipeline_mode<synchronous>, transform_indices = @transform_3, window_bounds = array<i64: 1, 1>}]} {
    %get3A = arith.constant 0 : index
    %get3A_0 = arith.constant 0 : index
    %get3A_1 = vector.load %arg1[%get3A, %get3A_0] : memref<896x64xf32, #tpu.memory_space<vmem>>, vector<896x64xf32>
    %get3A_2 = arith.constant 0 : index
    %get3A_3 = arith.constant 0 : index
    %get3A_4 = vector.load %arg2[%get3A_2, %get3A_3] : memref<64x512xf32, #tpu.memory_space<vmem>>, vector<64x512xf32>
    %dot_general3A = arith.constant dense<0.000000e+00> : vector<896x512xf32>
    %dot_general3A_5 = tpu.matmul %get3A_1, %get3A_4, %dot_general3A {dimension_numbers = #tpu.dot_dimension_numbers<[1], [0], [0], [1], [0, 0, 1, 1], [], []>, transpose_lhs_hint = false} : vector<896x64xf32>, vector<64x512xf32>, vector<896x512xf32> -> vector<896x512xf32>
    %mul3A = arith.mulf %get3A_1, %get3A_1 : vector<896x64xf32>
    %reduce_sum3A = arith.constant dense<0.000000e+00> : vector<896xf32>
    %reduce_sum3A_6 = vector.multi_reduction <add>, %mul3A, %reduce_sum3A [1] : vector<896x64xf32> to vector<896xf32>
    %broadcast_in_dim3A = vector.shape_cast %reduce_sum3A_6 : vector<896xf32> to vector<896x1xf32>
    %mul3A_7 = arith.mulf %get3A_4, %get3A_4 : vector<64x512xf32>
    %reduce_sum3A_8 = arith.constant dense<0.000000e+00> : vector<512xf32>
    %reduce_sum3A_9 = vector.multi_reduction <add>, %mul3A_7, %reduce_sum3A_8 [0] : vector<64x512xf32> to vector<512xf32>
    %broadcast_in_dim3A_10 = vector.shape_cast %reduce_sum3A_9 : vector<512xf32> to vector<1x512xf32>
    %mul3A_11 = arith.constant 2.000000e+00 : f32
    %mul3A_12 = vector.broadcast %mul3A_11 : f32 to vector<896x512xf32>
    %mul3A_13 = arith.mulf %mul3A_12, %dot_general3A_5 : vector<896x512xf32>
    %sub3A = vector.broadcast %broadcast_in_dim3A : vector<896x1xf32> to vector<896x512xf32>
    %sub3A_14 = arith.subf %sub3A, %mul3A_13 : vector<896x512xf32>
    %add3A = vector.broadcast %broadcast_in_dim3A_10 : vector<1x512xf32> to vector<896x512xf32>
    %add3A_15 = arith.addf %sub3A_14, %add3A : vector<896x512xf32>
    %reduce_min3A = arith.constant dense<0x7F800000> : vector<896xf32>
    %reduce_min3A_16 = vector.multi_reduction <minimumf>, %add3A_15, %reduce_min3A [1] : vector<896x512xf32> to vector<896xf32>
    %broadcast_in_dim3A_17 = vector.shape_cast %reduce_min3A_16 : vector<896xf32> to vector<896x1xf32>
    %iota3A = tpu.iota {dimensions = array<i32: 1>} : vector<896x512xi32>
    %le3A = vector.broadcast %broadcast_in_dim3A_17 : vector<896x1xf32> to vector<896x512xf32>
    %le3A_18 = arith.cmpf ole, %add3A_15, %le3A : vector<896x512xf32>
    %jit3A = arith.constant 512 : i32
    %broadcast_in_dim3A_19 = vector.broadcast %jit3A : i32 to vector<896x512xi32>
    %select_n3A = arith.select %le3A_18, %iota3A, %broadcast_in_dim3A_19 : vector<896x512xi1>, vector<896x512xi32>
    %reduce_min3A_20 = arith.constant dense<2147483647> : vector<896xi32>
    %reduce_min3A_21 = vector.multi_reduction <minsi>, %select_n3A, %reduce_min3A_20 [1] : vector<896x512xi32> to vector<896xi32>
    %add3A_22 = arith.constant 512 : i32
    %add3A_23 = vector.broadcast %add3A_22 : i32 to vector<896xi32>
    %add3A_24 = arith.addi %reduce_min3A_21, %add3A_23 : vector<896xi32>
    %swap3A = arith.constant 0 : index
    %swap3A_25 = arith.constant 0 : index
    %swap3A_26 = arith.constant 0 : index
    %swap3A_27 = vector.load %arg3[%swap3A, %swap3A_25, %swap3A_26] : memref<1x1x896xi32, #tpu.memory_space<vmem>>, vector<1x1x896xi32>
    %swap3A_28 = vector.shape_cast %swap3A_27 : vector<1x1x896xi32> to vector<896xi32>
    %swap3A_29 = vector.shape_cast %add3A_24 : vector<896xi32> to vector<1x1x896xi32>
    tpu.vector_store %arg3[%swap3A, %swap3A_25, %swap3A_26], %swap3A_29 {strides = array<i32>} : memref<1x1x896xi32, #tpu.memory_space<vmem>>, vector<1x1x896xi32>,
    %iota3A_30 = tpu.iota {dimensions = array<i32: 0>} : vector<896x1xi32>
    %mul3A_31 = arith.constant 896 : i32
    %mul3A_32 = arith.muli %arg0, %mul3A_31 : i32
    %add3A_33 = vector.broadcast %mul3A_32 : i32 to vector<896x1xi32>
    %add3A_34 = arith.addi %iota3A_30, %add3A_33 : vector<896x1xi32>
    %lt3A = arith.constant 6272 : i32
    %lt3A_35 = vector.broadcast %lt3A : i32 to vector<896x1xi32>
    %lt3A_36 = arith.cmpi slt, %add3A_34, %lt3A_35 : vector<896x1xi32>
    %max3A = arith.constant 0.000000e+00 : f32
    %max3A_37 = vector.broadcast %max3A : f32 to vector<896x1xf32>
    %max3A_38 = arith.maximumf %broadcast_in_dim3A_17, %max3A_37 : vector<896x1xf32>
    %jit3A_39 = arith.constant 0.000000e+00 : f32
    %broadcast_in_dim3A_40 = vector.broadcast %jit3A_39 : f32 to vector<896x1xf32>
    %select_n3A_41 = arith.select %lt3A_36, %max3A_38, %broadcast_in_dim3A_40 : vector<896x1xi1>, vector<896x1xf32>
    %eq3A = arith.constant 0 : i32
    %eq3A_42 = arith.cmpi eq, %arg0, %eq3A : i32
    %convert_element_type3A = arith.extui %eq3A_42 : i1 to i32
    %cond3A = arith.constant 0 : i32
    %cond3A_43 = arith.cmpi ne, %convert_element_type3A, %cond3A : i32
    scf.if %cond3A_43 {
      %broadcast_in_dim3A_56 = arith.constant 0.000000e+00 : f32
      %broadcast_in_dim3A_57 = vector.broadcast %broadcast_in_dim3A_56 : f32 to vector<1x1xf32>
      %swap3A_58 = arith.constant 0 : index
      %swap3A_59 = arith.constant 0 : index
      %swap3A_60 = vector.load %arg4[%swap3A_58, %swap3A_59] : memref<1x1xf32, #tpu.memory_space<vmem>>, vector<1x1xf32>
      tpu.vector_store %arg4[%swap3A_58, %swap3A_59], %broadcast_in_dim3A_57 {strides = array<i32>} : memref<1x1xf32, #tpu.memory_space<vmem>>, vector<1x1xf32>,
    } else {
    }
    %get3A_44 = arith.constant 0 : index
    %get3A_45 = arith.constant 0 : index
    %get3A_46 = vector.load %arg4[%get3A_44, %get3A_45] : memref<1x1xf32, #tpu.memory_space<vmem>>, vector<1x1xf32>
    %reduce_sum3A_47 = vector.shape_cast %select_n3A_41 : vector<896x1xf32> to vector<1x896x1xf32>
    %reduce_sum3A_48 = arith.constant dense<0.000000e+00> : vector<1xf32>
    %reduce_sum3A_49 = vector.multi_reduction <add>, %reduce_sum3A_47, %reduce_sum3A_48 [1, 2] : vector<1x896x1xf32> to vector<1xf32>
    %reduce_sum3A_50 = vector.shape_cast %reduce_sum3A_49 : vector<1xf32> to vector<1x1x1xf32>
    %reduce_sum3A_51 = vector.extract %reduce_sum3A_50[0, 0, 0] : f32 from vector<1x1x1xf32>
    %reshape3A = vector.broadcast %reduce_sum3A_51 : f32 to vector<1x1xf32>
    %add3A_52 = arith.addf %get3A_46, %reshape3A : vector<1x1xf32>
    %swap3A_53 = arith.constant 0 : index
    %swap3A_54 = arith.constant 0 : index
    %swap3A_55 = vector.load %arg4[%swap3A_53, %swap3A_54] : memref<1x1xf32, #tpu.memory_space<vmem>>, vector<1x1xf32>
    tpu.vector_store %arg4[%swap3A_53, %swap3A_54], %add3A_52 {strides = array<i32>} : memref<1x1xf32, #tpu.memory_space<vmem>>, vector<1x1xf32>,
    return
  }
  func.func @transform_0(%arg0: i32) -> (i32, i32) {
    %c0_i32 = arith.constant 0 : i32
    %c0_i32_0 = arith.constant 0 : i32
    return %arg0, %c0_i32 : i32, i32
  }
  func.func @transform_1(%arg0: i32) -> (i32, i32) {
    %c0_i32 = arith.constant 0 : i32
    %c0_i32_0 = arith.constant 0 : i32
    %c0_i32_1 = arith.constant 0 : i32
    return %c0_i32, %c0_i32_0 : i32, i32
  }
  func.func @transform_2(%arg0: i32) -> (i32, i32, i32) {
    %c0_i32 = arith.constant 0 : i32
    %c0_i32_0 = arith.constant 0 : i32
    %c0_i32_1 = arith.constant 0 : i32
    return %arg0, %c0_i32, %c0_i32_0 : i32, i32, i32
  }
  func.func @transform_3(%arg0: i32) -> (i32, i32) {
    %c0_i32 = arith.constant 0 : i32
    %c0_i32_0 = arith.constant 0 : i32
    %c0_i32_1 = arith.constant 0 : i32
    return %c0_i32, %c0_i32_0 : i32, i32
  }
}

module attributes {stable_mosaic.version = 14 : i64} {
  func.func @_vq_body(%arg0: i32, %arg1: memref<896x64xf32, #tpu.memory_space<vmem>>, %arg2: memref<64x512xf32, #tpu.memory_space<vmem>>, %arg3: memref<1x1x896xi32, #tpu.memory_space<vmem>>, %arg4: memref<1x1xf32, #tpu.memory_space<vmem>>) attributes {dimension_semantics = [#tpu.dimension_semantics<arbitrary>], iteration_bounds = array<i64: 7>, scalar_prefetch = 0 : i64, scratch_operands = 0 : i64, tpu.core_type = #tpu.core_type<tc>, window_params = [{transform_indices = @transform_0, window_bounds = array<i64: 896, 64>}, {pipeline_mode = #tpu.pipeline_mode<synchronous>, transform_indices = @transform_1, window_bounds = array<i64: 64, 512>}, {transform_indices = @transform_2, window_bounds = array<i64: 1, 1, 896>}, {pipeline_mode = #tpu.pipeline_mode<synchronous>, transform_indices = @transform_3, window_bounds = array<i64: 1, 1>}]} {
    %get3A = arith.constant 0 : index
    %get3A_0 = arith.constant 0 : index
    %get3A_1 = vector.load %arg1[%get3A, %get3A_0] : memref<896x64xf32, #tpu.memory_space<vmem>>, vector<896x64xf32>
    %get3A_2 = arith.constant 0 : index
    %get3A_3 = arith.constant 0 : index
    %get3A_4 = vector.load %arg2[%get3A_2, %get3A_3] : memref<64x512xf32, #tpu.memory_space<vmem>>, vector<64x512xf32>
    %dot_general3A = arith.constant dense<0.000000e+00> : vector<896x512xf32>
    %dot_general3A_5 = tpu.matmul %get3A_1, %get3A_4, %dot_general3A {dimension_numbers = #tpu.dot_dimension_numbers<[1], [0], [0], [1], [0, 0, 1, 1], [], []>, transpose_lhs_hint = false} : vector<896x64xf32>, vector<64x512xf32>, vector<896x512xf32> -> vector<896x512xf32>
    %mul3A = arith.mulf %get3A_1, %get3A_1 : vector<896x64xf32>
    %reduce_sum3A = arith.constant dense<0.000000e+00> : vector<896xf32>
    %reduce_sum3A_6 = vector.multi_reduction <add>, %mul3A, %reduce_sum3A [1] : vector<896x64xf32> to vector<896xf32>
    %broadcast_in_dim3A = vector.shape_cast %reduce_sum3A_6 : vector<896xf32> to vector<896x1xf32>
    %mul3A_7 = arith.mulf %get3A_4, %get3A_4 : vector<64x512xf32>
    %reduce_sum3A_8 = arith.constant dense<0.000000e+00> : vector<512xf32>
    %reduce_sum3A_9 = vector.multi_reduction <add>, %mul3A_7, %reduce_sum3A_8 [0] : vector<64x512xf32> to vector<512xf32>
    %broadcast_in_dim3A_10 = vector.shape_cast %reduce_sum3A_9 : vector<512xf32> to vector<1x512xf32>
    %mul3A_11 = arith.constant 2.000000e+00 : f32
    %mul3A_12 = vector.broadcast %mul3A_11 : f32 to vector<896x512xf32>
    %mul3A_13 = arith.mulf %mul3A_12, %dot_general3A_5 : vector<896x512xf32>
    %sub3A = vector.broadcast %broadcast_in_dim3A : vector<896x1xf32> to vector<896x512xf32>
    %sub3A_14 = arith.subf %sub3A, %mul3A_13 : vector<896x512xf32>
    %add3A = vector.broadcast %broadcast_in_dim3A_10 : vector<1x512xf32> to vector<896x512xf32>
    %add3A_15 = arith.addf %sub3A_14, %add3A : vector<896x512xf32>
    %reduce_min3A = arith.constant dense<0x7F800000> : vector<896xf32>
    %reduce_min3A_16 = vector.multi_reduction <minimumf>, %add3A_15, %reduce_min3A [1] : vector<896x512xf32> to vector<896xf32>
    %broadcast_in_dim3A_17 = vector.shape_cast %reduce_min3A_16 : vector<896xf32> to vector<896x1xf32>
    %iota3A = tpu.iota {dimensions = array<i32: 1>} : vector<896x512xi32>
    %le3A = vector.broadcast %broadcast_in_dim3A_17 : vector<896x1xf32> to vector<896x512xf32>
    %le3A_18 = arith.cmpf ole, %add3A_15, %le3A : vector<896x512xf32>
    %jit3A = arith.constant 512 : i32
    %broadcast_in_dim3A_19 = vector.broadcast %jit3A : i32 to vector<896x512xi32>
    %select_n3A = arith.select %le3A_18, %iota3A, %broadcast_in_dim3A_19 : vector<896x512xi1>, vector<896x512xi32>
    %reduce_min3A_20 = arith.constant dense<2147483647> : vector<896xi32>
    %reduce_min3A_21 = vector.multi_reduction <minsi>, %select_n3A, %reduce_min3A_20 [1] : vector<896x512xi32> to vector<896xi32>
    %add3A_22 = arith.constant 0 : i32
    %add3A_23 = vector.broadcast %add3A_22 : i32 to vector<896xi32>
    %add3A_24 = arith.addi %reduce_min3A_21, %add3A_23 : vector<896xi32>
    %swap3A = arith.constant 0 : index
    %swap3A_25 = arith.constant 0 : index
    %swap3A_26 = arith.constant 0 : index
    %swap3A_27 = vector.load %arg3[%swap3A, %swap3A_25, %swap3A_26] : memref<1x1x896xi32, #tpu.memory_space<vmem>>, vector<1x1x896xi32>
    %swap3A_28 = vector.shape_cast %swap3A_27 : vector<1x1x896xi32> to vector<896xi32>
    %swap3A_29 = vector.shape_cast %add3A_24 : vector<896xi32> to vector<1x1x896xi32>
    tpu.vector_store %arg3[%swap3A, %swap3A_25, %swap3A_26], %swap3A_29 {strides = array<i32>} : memref<1x1x896xi32, #tpu.memory_space<vmem>>, vector<1x1x896xi32>,
    %iota3A_30 = tpu.iota {dimensions = array<i32: 0>} : vector<896x1xi32>
    %mul3A_31 = arith.constant 896 : i32
    %mul3A_32 = arith.muli %arg0, %mul3A_31 : i32
    %add3A_33 = vector.broadcast %mul3A_32 : i32 to vector<896x1xi32>
    %add3A_34 = arith.addi %iota3A_30, %add3A_33 : vector<896x1xi32>
    %lt3A = arith.constant 6272 : i32
    %lt3A_35 = vector.broadcast %lt3A : i32 to vector<896x1xi32>
    %lt3A_36 = arith.cmpi slt, %add3A_34, %lt3A_35 : vector<896x1xi32>
    %max3A = arith.constant 0.000000e+00 : f32
    %max3A_37 = vector.broadcast %max3A : f32 to vector<896x1xf32>
    %max3A_38 = arith.maximumf %broadcast_in_dim3A_17, %max3A_37 : vector<896x1xf32>
    %jit3A_39 = arith.constant 0.000000e+00 : f32
    %broadcast_in_dim3A_40 = vector.broadcast %jit3A_39 : f32 to vector<896x1xf32>
    %select_n3A_41 = arith.select %lt3A_36, %max3A_38, %broadcast_in_dim3A_40 : vector<896x1xi1>, vector<896x1xf32>
    %eq3A = arith.constant 0 : i32
    %eq3A_42 = arith.cmpi eq, %arg0, %eq3A : i32
    %convert_element_type3A = arith.extui %eq3A_42 : i1 to i32
    %cond3A = arith.constant 0 : i32
    %cond3A_43 = arith.cmpi ne, %convert_element_type3A, %cond3A : i32
    scf.if %cond3A_43 {
      %broadcast_in_dim3A_56 = arith.constant 0.000000e+00 : f32
      %broadcast_in_dim3A_57 = vector.broadcast %broadcast_in_dim3A_56 : f32 to vector<1x1xf32>
      %swap3A_58 = arith.constant 0 : index
      %swap3A_59 = arith.constant 0 : index
      %swap3A_60 = vector.load %arg4[%swap3A_58, %swap3A_59] : memref<1x1xf32, #tpu.memory_space<vmem>>, vector<1x1xf32>
      tpu.vector_store %arg4[%swap3A_58, %swap3A_59], %broadcast_in_dim3A_57 {strides = array<i32>} : memref<1x1xf32, #tpu.memory_space<vmem>>, vector<1x1xf32>,
    } else {
    }
    %get3A_44 = arith.constant 0 : index
    %get3A_45 = arith.constant 0 : index
    %get3A_46 = vector.load %arg4[%get3A_44, %get3A_45] : memref<1x1xf32, #tpu.memory_space<vmem>>, vector<1x1xf32>
    %reduce_sum3A_47 = vector.shape_cast %select_n3A_41 : vector<896x1xf32> to vector<1x896x1xf32>
    %reduce_sum3A_48 = arith.constant dense<0.000000e+00> : vector<1xf32>
    %reduce_sum3A_49 = vector.multi_reduction <add>, %reduce_sum3A_47, %reduce_sum3A_48 [1, 2] : vector<1x896x1xf32> to vector<1xf32>
    %reduce_sum3A_50 = vector.shape_cast %reduce_sum3A_49 : vector<1xf32> to vector<1x1x1xf32>
    %reduce_sum3A_51 = vector.extract %reduce_sum3A_50[0, 0, 0] : f32 from vector<1x1x1xf32>
    %reshape3A = vector.broadcast %reduce_sum3A_51 : f32 to vector<1x1xf32>
    %add3A_52 = arith.addf %get3A_46, %reshape3A : vector<1x1xf32>
    %swap3A_53 = arith.constant 0 : index
    %swap3A_54 = arith.constant 0 : index
    %swap3A_55 = vector.load %arg4[%swap3A_53, %swap3A_54] : memref<1x1xf32, #tpu.memory_space<vmem>>, vector<1x1xf32>
    tpu.vector_store %arg4[%swap3A_53, %swap3A_54], %add3A_52 {strides = array<i32>} : memref<1x1xf32, #tpu.memory_space<vmem>>, vector<1x1xf32>,
    return
  }
  func.func @transform_0(%arg0: i32) -> (i32, i32) {
    %c0_i32 = arith.constant 0 : i32
    %c0_i32_0 = arith.constant 0 : i32
    return %arg0, %c0_i32 : i32, i32
  }
  func.func @transform_1(%arg0: i32) -> (i32, i32) {
    %c0_i32 = arith.constant 0 : i32
    %c0_i32_0 = arith.constant 0 : i32
    %c0_i32_1 = arith.constant 0 : i32
    return %c0_i32, %c0_i32_0 : i32, i32
  }
  func.func @transform_2(%arg0: i32) -> (i32, i32, i32) {
    %c0_i32 = arith.constant 0 : i32
    %c0_i32_0 = arith.constant 0 : i32
    %c0_i32_1 = arith.constant 0 : i32
    return %arg0, %c0_i32, %c0_i32_0 : i32, i32, i32
  }
  func.func @transform_3(%arg0: i32) -> (i32, i32) {
    %c0_i32 = arith.constant 0 : i32
    %c0_i32_0 = arith.constant 0 : i32
    %c0_i32_1 = arith.constant 0 : i32
    return %c0_i32, %c0_i32_0 : i32, i32
  }
}

</mosaic_0001>

<sc_bundles>
// kernel: kernel.11.cloned.1.call-start
scs
__scs_entry_jumppad:
0x0: {  	(pc) =	sbr.rel $0x88, $3  }
0x1: {  	(tag) =	ssettag $0x0;
	lr =	simm.s32 $0x1  }
0x2: {  	[smem:$0x3F35] =	sst lr;
	_ =	strace $0xD0000000  }
0x3: {  	_ = 	snop  }
0x4: {  	_ = 	snop  }
0x5: {  	_ = 	snop  }
0x6: {  	_ = 	snop  }
0x7: {  	_ = 	snop  }
__scs_overlays_trampoline_lowered:
0x8: {  	[smem:$0x3F44] =	sst s0  }
0x9: {  	[smem:$0x3F45] =	sst s1  }
0xa: {  	[smem:$0x3F46] =	sst s2  }
0xb: {  	[smem:$0x3F47] =	sst s3  }
0xc: {  	[smem:$0x3F48] =	sst s4  }
0xd: {  	[smem:$0x3F49] =	sst s5  }
0xe: {  	[smem:$0x3F4A] =	sst s6  }
0xf: {  	[smem:$0x3F4B] =	sst s7  }
0x10: {  	[smem:$0x3F4C] =	sst s8  }
0x11: {  	[smem:$0x3F4D] =	sst s9;
	s0 =	simm.s32 @!p0 $0x0  }
0x12: {  	s1 =	sld [smem:$0x3F33];
	s0 =	simm.s32 @p0 $0x1  }
0x13: {  	[smem:$0x3F4E] =	sst s0;
	s0 =	simm.s32 @!p1 $0x0  }
0x14: {  	s2 =	sld [smem:$0x3F32];
	s0 =	simm.s32 @p1 $0x1  }
0x15: {  	[smem:$0x3F4F] =	sst s0;
	s0 =	simm.s32 @!p2 $0x0  }
0x16: {  	s3 =	sld [smem:$0x3FDB];
	s0 =	simm.s32 @p2 $0x1  }
0x17: {  	s4 =	simm.s32 $0x1BF5;
	[smem:$0x3F51] =	sst s0  }
0x18: {  	s0 =	sld [smem:$0x3F34];
	_ =	swait.ge [sflag:s4], $0x0  }
0x19: {  	s7 =	sld [smem:$0x3F35]  }
0x1a: {  	s8 =	sadd.s32 $0xFFFFE003, lr  }
0x1b: {  	s9 =	sadd.s32 $0xFFFFFEF7, lr;
	s5 =	simm.s32 $0xFFFFFFFF;
	p2 =	slt.u32 s8, $0xFFFFF086  }
0x1c: {  	p1 =	slt.u32 s9, $0xF7A;
	s5 =	simm.s32 @!p2 $0x0  }
0x1d: {  	s5 =	simm.s32 @p1 $0x1;
	p0 =	seq.s32 s7, s2  }
0x1e: {  	s7 =	smul.u32 @!p0 $0xF7A, s2;
	p2 =	seq.s32 @!p0 s5, $0x0  }
0x1f: {  	s9 =	smul.u32 $0xF7A, s1;
	s8 =	simm.s32 @!p0 $0x1BF5;
	p2 =	por !p2, p0  }
0x20: {  	[sflag:s8] =	ssyncset.s32 @!p0 $0xFFFFF086;
	s6 =	sadd.s32 @!p0 s3, s7;
	s7 =	simm.s32 @!p0 $0x108  }
0x21: {  	s3 =	sadd.s32 s3, s9;
	s6 =	sadd.s32 @!p0 $0x88, s6;
	s7 =	simm.s32 @p2 $0x1082  }
0x22: {  	[simem:s7], [sflag:s8] =	dma.local @!p0 [hbm:s6], $0xF7A  }
0x23: {  	s9 =	sor.u32 $0xD0000000, s2;
	s6 =	simm.s32 $0x108;
	_ =	swait.ge @!p0 [sflag:s8], $0x0  }
0x24: {  	s3 =	sadd.s32 $0x88, s3;
	s6 =	simm.s32 @!p1 $0x1082;
	[sflag:s4] =	ssyncset.s32 $0xFFFFF086  }
0x25: {  	[simem:s6], [sflag:s4] =	dma.local [hbm:s3], $0xF7A  }
0x26: {  	[smem:$0x3F35] =	sst s1;
	(tag) =	ssettag s2;
	_ =	strace s9  }
0x27: {  	s1 =	sld [smem:$0x3F45]  }
0x28: {  	s2 =	sld [smem:$0x3F46]  }
0x29: {  	s4 =	sld [smem:$0x3F48]  }
0x2a: {  	p0 =	seq.s32 s5, $0x0;
	s5 =	sld [smem:$0x3F49]  }
0x2b: {  	s6 =	sld [smem:$0x3F4A]  }
0x2c: {  	s7 =	sld [smem:$0x3F4B]  }
0x2d: {  	s3 =	simm.s32 $0x108;
	s8 =	sld [smem:$0x3F4C]  }
0x2e: {  	s3 =	simm.s32 @!p0 $0x1082;
	s9 =	sld [smem:$0x3F4D]  }
0x2f: {  	lr =	sadd.s32 s0, s3;
	s0 =	sld [smem:$0x3F44]  }
0x30: {  	s3 =	sld [smem:$0x3F47]  }
0x31: {  	[smem:$0x3F50] =	sst s10  }
0x32: {  	s10 =	sld [smem:$0x3F4E];
	_ =	sdelay $0x3  }
0x33: {  	p0 =	seq.s32 s10, $0x1;
	s10 =	sld [smem:$0x3F50];
	_ =	sdelay $0x3  }
0x34: {  	[smem:$0x3F50] =	sst s10  }
0x35: {  	s10 =	sld [smem:$0x3F4F];
	_ =	sdelay $0x3  }
0x36: {  	p1 =	seq.s32 s10, $0x1;
	s10 =	sld [smem:$0x3F50];
	_ =	sdelay $0x3  }
0x37: {  	[smem:$0x3F50] =	sst s10  }
0x38: {  	s10 =	sld [smem:$0x3F51]  }
0x39: {  	_ = 	snop;
	(pc) =	sbr.ind lr, $3  }
0x3a: {  	_ = 	snop  }
0x3b: {  	_ = 	snop  }
0x3c: {  	p2 =	seq.s32 s10, $0x1;
	s10 =	sld [smem:$0x3F50]  }
0x3d: {  	_ =	shalt  }
0x3e: {  	_ =	shalt  }
0x3f: {  	_ =	shalt  }
0x40: {  	_ =	shalt  }
0x41: {  	_ =	shalt  }
0x42: {  	_ =	shalt  }
0x43: {  	_ =	shalt  }
0x44: {  	_ =	shalt  }
0x45: {  	_ =	shalt  }
0x46: {  	_ =	shalt  }
0x47: {  	_ =	shalt  }
0x48: {  	_ =	shalt  }
0x49: {  	_ =	shalt  }
0x4a: {  	_ =	shalt  }
0x4b: {  	_ =	shalt  }
0x4c: {  	_ =	shalt  }
0x4d: {  	_ =	shalt  }
0x4e: {  	_ =	shalt  }
0x4f: {  	_ =	shalt  }
0x50: {  	_ =	shalt  }
0x51: {  	_ =	shalt  }
0x52: {  	_ =	shalt  }
0x53: {  	_ =	shalt  }
0x54: {  	_ =	shalt  }
0x55: {  	_ =	shalt  }
0x56: {  	_ =	shalt  }
0x57: {  	_ =	shalt  }
0x58: {  	_ =	shalt  }
0x59: {  	_ =	shalt  }
0x5a: {  	_ =	shalt  }
0x5b: {  	_ =	shalt  }
0x5c: {  	_ =	shalt  }
0x5d: {  	_ =	shalt  }
0x5e: {  	_ =	shalt  }
0x5f: {  	_ =	shalt  }
0x60: {  	_ =	shalt  }
0x61: {  	_ =	shalt  }
0x62: {  	_ =	shalt  }
0x63: {  	_ =	shalt  }
0x64: {  	_ =	shalt  }
0x65: {  	_ =	shalt  }
0x66: {  	_ =	shalt  }
0x67: {  	_ =	shalt  }
0x68: {  	_ =	shalt  }
0x69: {  	_ =	shalt  }
0x6a: {  	_ =	shalt  }
0x6b: {  	_ =	shalt  }
0x6c: {  	_ =	shalt  }
0x6d: {  	_ =	shalt  }
0x6e: {  	_ =	shalt  }
0x6f: {  	_ =	shalt  }
0x70: {  	_ =	shalt  }
0x71: {  	_ =	shalt  }
0x72: {  	_ =	shalt  }
0x73: {  	_ =	shalt  }
0x74: {  	_ =	shalt  }
0x75: {  	_ =	shalt  }
0x76: {  	_ =	shalt  }
0x77: {  	_ =	shalt  }
0x78: {  	_ =	shalt  }
0x79: {  	_ =	shalt  }
0x7a: {  	_ =	shalt  }
0x7b: {  	_ =	shalt  }
0x7c: {  	_ =	shalt  }
0x7d: {  	_ =	shalt  }
0x7e: {  	_ =	shalt  }
0x7f: {  	_ =	shalt  }
0x80: {  	_ =	shalt  }
0x81: {  	_ =	shalt  }
0x82: {  	_ =	shalt  }
0x83: {  	_ =	shalt  }
0x84: {  	_ =	shalt  }
0x85: {  	_ =	shalt  }
0x86: {  	_ =	shalt  }
0x87: {  	_ =	shalt  }
.Lfunc_end0:
.L_simem_size_0:
called_computation.1_lowered:
.L_overlay_start_0:
0x88: {  	s2 =	sld [smem:$0x3FD9]  }
0x89: {  	s3 =	sld [smem:$0x3FFE];
	_ =	sdelay $0x1  }
0x8a: {  	s1 =	srdreg.scid  }
0x8b: {  	s0 =	sand.u32 $0x1, s1  }
0x8c: {  	s14 =	sshll.u32 s0, $0xA;
	s2 =	sadd.s32 s3, s2  }
0x8d: {  	s2 =	sadd.s32 s2, s14  }
0x8e: {  	[smem:$0x3F5C] =	sst s2  }
0x8f: {  	_ = 	snop  }
0x90: {  	s2 =	sld [smem:$0x3FD0];
	_ =	sdelay $0x2  }
0x91: {  	s15 =	simm.s32 $0xA;
	s4 =	simm.s32 $0x10  }
0x92: {  	[smem:s4], [sflag:s15] =	dma.local [hbm:s2], $0x1  }
0x93: {  	_ =	swait.eq [sflag:s15], $0x1  }
0x94: {  	[sflag:s15] =	ssyncset.done $0x0  }
0x95: {  	[sflag:s15] =	ssyncadd.s32 $0xFFFFFFFF  }
0x96: {  	s16 =	sld [smem:$0x10];
	(tm) =	ssettm $0x1  }
0x97: {  	s17 =	sld [smem:$0x3FFB];
	_ =	sdelay $0x3  }
0x98: {  	_ =	strace s17  }
0x99: {  	s3 =	sld [smem:$0x3FFC];
	_ =	sdelay $0x3  }
0x9a: {  	_ =	strace s3  }
0x9b: {  	s3 =	sld [smem:$0x3FFD];
	_ =	sdelay $0x3  }
0x9c: {  	_ =	strace s3  }
0x9d: {  	_ =	strace $0x8FFFFFFF  }
0x9e: {  	s18 =	sld [smem:$0x3FDB];
	_ =	sdelay $0x1  }
0x9f: {  	s19 =	simm.s32 $_scs_section_size  }
0xa0: {  	s5 =	simm.s32 $_size__tile_overlayer_lowered;
	s6 =	simm.s32 $_tile_overlayer_lowered  }
0xa1: {  	s22 =	simm.s32 $0x1BFF;
	s21 =	sshll.u32 s6, $0x1;
	s3 =	sadd.s32 s19, s18  }
0xa2: {  	s7 =	simm.s32 $0x0;
	s20 =	sshll.u32 s5, $0x1;
	s5 =	sadd.s32 s21, s3  }
0xa3: {  	[timem:s7], [sflag:s22] =	dma.local [hbm:s5], s20  }
0xa4: {  	_ =	swait.ge [sflag:s22], s20  }
0xa5: {  	s4 =	ssub.s32 $0x0, s20;
	[sflag:s22] =	ssyncset.done $0x0  }
0xa6: {  	[sflag:s22] =	ssyncadd.s32 s4;
	_ =	sdelay $0x1  }
0xa7: {  	s23 =	simm.s32 $0x1B8B  }
0xa8: {  	_ =	swait.ge [sflag:s23], $0x1  }
0xa9: {  	[sflag:s23] =	ssyncset.done $0x0  }
0xaa: {  	s25 =	simm.s32 $0x1B8E;
	s24 =	sld [smem:$0x3FFE];
	[sflag:s23] =	ssyncadd.s32 $0xFFFFFFFF  }
0xab: {  	s26 =	simm.s32 $execute0_lowered;
	[smem:$0x3FD2] =	sst s25  }
0xac: {  	s5 =	sshll.u32 s26, $0x1;
	_ =	strace $0x80000049;
	[dreg:$0x1] =	wrdreg $0xFFFFFFFF  }
0xad: {  	s28 =	simm.s32 $_size_execute0_lowered;
	s3 =	sadd.s32 s3, s5;
	[dreg:$0x0] =	wrdreg $0x0  }
0xae: {  	s5 =	sshll.u32 s28, $0x1;
	[dreg:$0x2] =	wrdreg s3  }
0xaf: {  	[dreg:$0x3] =	wrdreg s5  }
0xb0: {  	[dreg:$0x4] =	wrdreg $0xC0  }
0xb1: {  	_ =	task [dreg:s7], $0x5FFFF  }
0xb2: {  	[dreg:$0x1] =	wrdreg $0xFFFFFFFF  }
0xb3: {  	[dreg:$0x0] =	wrdreg $0x60  }
0xb4: {  	[dreg:$0x2] =	wrdreg s24  }
0xb5: {  	[dreg:$0x3] =	wrdreg s16  }
0xb6: {  	[dreg:$0x4] =	wrdreg $0x82000  }
0xb7: {  	[dreg:$0x5] =	wrdreg $0x9  }
0xb8: {  	_ =	task.clear_ibuf [dreg:s7], $0x6FFFF;
	_ =	strace $0x90000049  }
0xb9: {  	s29 =	simm.s32 $0x9;
	_ =	strace $0x8000004B  }
0xba: {  	_ =	swait.ge [sflag:s29], $0x1  }
0xbb: {  	[sflag:s29] =	ssyncadd.s32 $0xFFFFFFFF  }
0xbc: {  	_ =	strace $0x9000004B  }
0xbd: {  	_ =	sfence  }
0xbe: {  	s30 =	sld [smem:$0x0];
	_ =	sdelay $0x2  }
0xbf: {  	s31 =	sshll.u32 s1, $0xD;
	s1 =	sshrl.u32 s1, $0x2  }
0xc0: {  	s3 =	sand.u32 $0x4000, s31;
	s1 =	sadd.s32 s1, s30  }
0xc1: {  	s0 =	sor.u32 s3, s0;
	s1 =	sshll.u32 s1, $0x11  }
0xc2: {  	s0 =	sor.u32 s1, s0  }
0xc3: {  	s0 =	sadd.s32 $0x8F2B, s0  }
0xc4: {  	[sflag:s0] =	ssyncadd.remote.s32 $0x1  }
0xc5: {  	_ =	sfence.sel $0xFFFF  }
0xc6: {  	[dreg:$0x0] =	wrdreg $0xFFFFFFFF;
	(pc) =	sbr.abs _section_cstart, $3  }
0xc7: {  	[dreg:$0x1] =	wrdreg $0xFFFFFFFF  }
0xc8: {  	_ =	task.clear_ibuf [dreg:s7], $0x2FFFF;
	_ =	strace $0x9FFFFFFF  }
0xc9: {  	(tm) =	ssettm $0x7FFFFFFF  }
tec
execute0_lowered:
.L_overlay_start_1:
0x0: {  	(tag) =	ssettag $0x1  }
0x1: {  	s5 =	srdreg.scid;
	s6 =	stileid.u32  }
0x2: {  	s3 =	rddreg [dreg:$0x0];
	s5 =	sand.u32 $0x1, s5;
	s7 =	sshll.u32 s6, $0x1  }
0x3: {  	s4 =	rddreg [dreg:$0x1];
	s8 =	sor.u32 s5, s7;
	s5 =	ssub.s32 $0x2, s5  }
0x4: {  	s2 =	rddreg [dreg:$0x2];
	s30 =	sshrl.u32 s5, $0x1  }
0x5: {  	s0 =	rddreg [dreg:$0x3];
	s1 =	simm.s32 $0x0;
	s5 =	ssub.s32 s5, s30  }
0x6: {  	s10 =	simm.s32 $0x2200;
	s11 =	simm.s32 $0x100;
	s31 =	smax.u32 s5, $0x1  }
0x7: {  	s12 =	simm.s32 $0x4200;
	s13 =	simm.s32 $0x180;
	s18 =	sadd.s32 $0xFFFFFFFF, s31  }
0x8: {  	s14 =	simm.s32 $0x6200;
	p1 =	por $0x0, $0x0;
	p2 =	sne.s32 s18, $0x0  }
.Ltmp0:
0x9: {  	[smem:$0x7FF] =	sst s1;
	p0 =	sne.s32 s6, $0x0;
	(pc) =	sbr.rel @!p2 .LBB2_3-.Ltmp0, $4  }
0xa: {  	s6 =	simm.s32 $0x1;
	_ =	strace $0x8000004A;
	s7 =	sadd.s32 $0x11E00, s3  }
0xb: {  	s15 =	sshrl.u32 @!p0 s2, $0x3;
	s9 =	sshll.u32 s8, $0xC;
	s8 =	sshll.u32 s8, $0x6  }
0xc: {  	s3 =	sadd.s32 s9, s3;
	s9 =	sadd.s32 s4, s8;
	s4 =	simm.s32 $0x2  }
0xd: {  	s8 =	simm.s32 $0x80;
	s3 =	sadd.s32 $0x13E00, s3;
	s5 =	simm.s32 $0x200  }
0xe: {  	s16 =	simm.s32 @!p0 $0x1C02;
	s17 =	simm.s32 @!p0 $0x2  }
0xf: {  	[spmem:s15], [sflag:s16] =	dma.local @!p0 [hbm:s7], $0x2000  }
0x10: {  	_ =	swait.ge @!p0 [sflag:s17], $0x2000  }
0x11: {  	[sflag:s17] =	ssyncset.done @!p0 $0x0  }
0x12: {  	[sflag:s17] =	ssyncadd.s32 @!p0 $0xFFFFE000  }
0x13: {  	[bflag:$0x0] =	sbarrier.arrive $0xFFFF  }
0x14: {  	[tilespmem:s1], [sflag:$0x2] =	stream.linear.gather [hbm4b:s9+s1], $0x200, $0x38;
	[tilespmem:$0x9200] =	vst v63  }
0x15: {  	_ =	swait.ge [sflag:s4], $0x200  }
0x16: {  	[sflag:s4] =	ssyncset.done $0x0  }
0x17: {  	[sflag:s4] =	ssyncadd.s32 $0xFFFFFE00  }
0x18: {  	[tilespmem:s5], [sflag:$0x1] =	stream.indirect.gather [spmem:s2], $0x40, s1, s8, $0xb8;
	[tilespmem:$0x9200] =	vst v63  }
0x19: {  	_ = 	snop  }
0x1a: {  	[tilespmem:s10], [sflag:$0x1] =	stream.indirect.gather [spmem:s2], $0x40, s8, s8, $0xb8;
	[tilespmem:$0x9200] =	vst v63  }
0x1b: {  	_ = 	snop  }
0x1c: {  	[tilespmem:s12], [sflag:$0x1] =	stream.indirect.gather [spmem:s2], $0x40, s11, s8, $0xb8;
	[tilespmem:$0x9200] =	vst v63  }
0x1d: {  	_ = 	snop  }
0x1e: {  	[tilespmem:s14], [sflag:$0x1] =	stream.indirect.gather [spmem:s2], $0x40, s13, s8, $0xb8;
	[tilespmem:$0x9200] =	vst v63  }
0x1f: {  	_ =	swait.ge [sflag:s6], $0x2000  }
0x20: {  	[sflag:s6] =	ssyncset.done $0x0  }
0x21: {  	[sflag:s6] =	ssyncadd.s32 $0xFFFFE000  }
0x22: {  	_ =	swait.ge [sflag:s6], $0x2000  }
0x23: {  	[sflag:s6] =	ssyncset.done $0x0  }
0x24: {  	[sflag:s6] =	ssyncadd.s32 $0xFFFFE000  }
0x25: {  	_ =	swait.ge [sflag:s6], $0x2000  }
0x26: {  	[sflag:s6] =	ssyncset.done $0x0  }
0x27: {  	s18 =	sadd.s32 $0xFFFFFFFF, s18;
	[sflag:s6] =	ssyncadd.s32 $0xFFFFE000  }
0x28: {  	p2 =	sne.s32 s18, $0x0;
	_ =	swait.ge [sflag:s6], $0x2000  }
.Ltmp1:
0x29: {  	[sflag:s6] =	ssyncset.done $0x0;
	(pc) =	sbr.rel @!p2 .LBB2_3-.Ltmp1, $4  }
0x2a: {  	[sflag:s6] =	ssyncadd.s32 $0xFFFFE000  }
0x2b: {  	[hbm4b:s3+s1] =	stream.linear.scatter [tilespmem:s5], [sflag:$0x2], $0x8000, $0x38;
	[tilespmem:$0x9200] =	vst v63  }
0x2c: {  	_ =	swait.ge [sflag:s4], $0x8000  }
0x2d: {  	p1 =	por $0x1, $0x1;
	[sflag:s4] =	ssyncset.done $0x0  }
.LBB2_2:
0x2e: {  	[sflag:s4] =	ssyncadd.s32 $0xFFFF8000  }
0x2f: {  	[spmem:s15], [sflag:s16] =	dma.local @!p0 [hbm:s7], $0x2000  }
0x30: {  	s18 =	sadd.s32 $0xFFFFFFFF, s18;
	_ =	swait.ge @!p0 [sflag:s17], $0x2000  }
0x31: {  	p2 =	sne.s32 s18, $0x0;
	[sflag:s17] =	ssyncset.done @!p0 $0x0  }
0x32: {  	[sflag:s17] =	ssyncadd.s32 @!p0 $0xFFFFE000  }
0x33: {  	[bflag:$0x0] =	sbarrier.arrive $0xFFFF  }
0x34: {  	[tilespmem:s1], [sflag:$0x2] =	stream.linear.gather [hbm4b:s9+s1], $0x200, $0x38;
	[tilespmem:$0x9200] =	vst v63  }
0x35: {  	_ =	swait.ge [sflag:s4], $0x200  }
0x36: {  	[sflag:s4] =	ssyncset.done $0x0  }
0x37: {  	[sflag:s4] =	ssyncadd.s32 $0xFFFFFE00  }
0x38: {  	[tilespmem:s5], [sflag:$0x1] =	stream.indirect.gather [spmem:s2], $0x40, s1, s8, $0xb8;
	[tilespmem:$0x9200] =	vst v63  }
0x39: {  	_ = 	snop  }
0x3a: {  	[tilespmem:s10], [sflag:$0x1] =	stream.indirect.gather [spmem:s2], $0x40, s8, s8, $0xb8;
	[tilespmem:$0x9200] =	vst v63  }
0x3b: {  	_ = 	snop  }
0x3c: {  	[tilespmem:s12], [sflag:$0x1] =	stream.indirect.gather [spmem:s2], $0x40, s11, s8, $0xb8;
	[tilespmem:$0x9200] =	vst v63  }
0x3d: {  	_ = 	snop  }
0x3e: {  	[tilespmem:s14], [sflag:$0x1] =	stream.indirect.gather [spmem:s2], $0x40, s13, s8, $0xb8;
	[tilespmem:$0x9200] =	vst v63  }
0x3f: {  	_ =	swait.ge [sflag:s6], $0x2000  }
0x40: {  	[sflag:s6] =	ssyncset.done $0x0  }
0x41: {  	[sflag:s6] =	ssyncadd.s32 $0xFFFFE000  }
0x42: {  	_ =	swait.ge [sflag:s6], $0x2000  }
0x43: {  	[sflag:s6] =	ssyncset.done $0x0  }
0x44: {  	[sflag:s6] =	ssyncadd.s32 $0xFFFFE000  }
0x45: {  	_ =	swait.ge [sflag:s6], $0x2000  }
0x46: {  	[sflag:s6] =	ssyncset.done $0x0  }
0x47: {  	[sflag:s6] =	ssyncadd.s32 $0xFFFFE000  }
0x48: {  	_ =	swait.ge [sflag:s6], $0x2000  }
.Ltmp2:
0x49: {  	[sflag:s6] =	ssyncset.done $0x0;
	(pc) =	sbr.rel @p2 .LBB2_2-.Ltmp2, $4  }
0x4a: {  	[sflag:s6] =	ssyncadd.s32 $0xFFFFE000  }
0x4b: {  	[hbm4b:s3+s1] =	stream.linear.scatter [tilespmem:s5], [sflag:$0x2], $0x8000, $0x38;
	[tilespmem:$0x9200] =	vst v63  }
0x4c: {  	_ =	swait.ge [sflag:s4], $0x8000  }
0x4d: {  	[sflag:s4] =	ssyncset.done $0x0  }
.LBB2_3:
0x4e: {  	s16 =	simm.s32 @!p0 $0x1C02;
	s17 =	simm.s32 @!p0 $0x2;
	[sflag:s4] =	ssyncadd.s32 @p1 $0xFFFF8000  }
0x4f: {  	[spmem:s15], [sflag:s16] =	dma.local @!p0 [hbm:s7], $0x2000  }
0x50: {  	_ =	swait.ge @!p0 [sflag:s17], $0x2000  }
0x51: {  	[sflag:s17] =	ssyncset.done @!p0 $0x0  }
0x52: {  	[sflag:s17] =	ssyncadd.s32 @!p0 $0xFFFFE000  }
0x53: {  	[bflag:$0x0] =	sbarrier.arrive $0xFFFF  }
0x54: {  	[tilespmem:s1], [sflag:$0x2] =	stream.linear.gather [hbm4b:s9+s1], $0x200, $0x38;
	[tilespmem:$0x9200] =	vst v63  }
0x55: {  	_ =	swait.ge [sflag:s4], $0x200  }
0x56: {  	[sflag:s4] =	ssyncset.done $0x0  }
0x57: {  	[sflag:s4] =	ssyncadd.s32 $0xFFFFFE00  }
0x58: {  	[tilespmem:s5], [sflag:$0x1] =	stream.indirect.gather [spmem:s2], $0x40, s1, s8, $0xb8;
	[tilespmem:$0x9200] =	vst v63  }
0x59: {  	_ = 	snop  }
0x5a: {  	[tilespmem:s10], [sflag:$0x1] =	stream.indirect.gather [spmem:s2], $0x40, s8, s8, $0xb8;
	[tilespmem:$0x9200] =	vst v63  }
0x5b: {  	_ = 	snop  }
0x5c: {  	[tilespmem:s12], [sflag:$0x1] =	stream.indirect.gather [spmem:s2], $0x40, s11, s8, $0xb8;
	[tilespmem:$0x9200] =	vst v63  }
0x5d: {  	_ = 	snop  }
0x5e: {  	[tilespmem:s14], [sflag:$0x1] =	stream.indirect.gather [spmem:s2], $0x40, s13, s8, $0xb8;
	[tilespmem:$0x9200] =	vst v63  }
0x5f: {  	_ =	swait.ge [sflag:s6], $0x2000  }
0x60: {  	[sflag:s6] =	ssyncset.done $0x0  }
0x61: {  	[sflag:s6] =	ssyncadd.s32 $0xFFFFE000  }
0x62: {  	_ =	swait.ge [sflag:s6], $0x2000  }
0x63: {  	[sflag:s6] =	ssyncset.done $0x0  }
0x64: {  	[sflag:s6] =	ssyncadd.s32 $0xFFFFE000  }
0x65: {  	_ =	swait.ge [sflag:s6], $0x2000  }
0x66: {  	[sflag:s6] =	ssyncset.done $0x0  }
0x67: {  	[sflag:s6] =	ssyncadd.s32 $0xFFFFE000  }
0x68: {  	_ =	swait.ge [sflag:s6], $0x2000  }
0x69: {  	[sflag:s6] =	ssyncset.done $0x0  }
0x6a: {  	[sflag:s6] =	ssyncadd.s32 $0xFFFFE000  }
0x6b: {  	[hbm4b:s3+s1] =	stream.linear.scatter [tilespmem:s5], [sflag:$0x2], $0x8000, $0x38;
	[tilespmem:$0x9200] =	vst v63  }
0x6c: {  	_ =	swait.ge [sflag:s4], $0x8000  }
0x6d: {  	[sflag:s4] =	ssyncset.done $0x0  }
0x6e: {  	[sflag:s4] =	ssyncadd.s32 $0xFFFF8000  }
0x6f: {  	_ =	sfence.sel $0x180000  }
0x70: {  	[bflag:$0x0] =	sbarrier.arrive $0xFFFF  }
0x71: {  	_ =	strace $0x9000004A  }
0x72: {  	s0 =	sadd.s32 @!p0 $0x100000, s0;
	[bflag:$0x2] =	sbarrier.arrive $0xFFFF  }
0x73: {  	[sflag:s0] =	ssyncadd.tile.s32 @!p0 $0x1;
	_ =	shalt  }
.Lfunc_end2:
_tile_overlayer_lowered:
.L_overlay_start_2:
0x74: {  	(tag) =	ssettag $0x2  }
0x75: {  	s0 =	rddreg [dreg:$0x0];
	s2 =	stileid.u32  }
0x76: {  	s1 =	rddreg [dreg:$0x1];
	p0 =	sne.s32 s2, $0x0  }
0x77: {  	s3 =	rddreg [dreg:$0x2];
	[bflag:$0x3] =	sbarrier.arrive $0xFFFF;
	s2 =	simm.s32 @!p0 $0x1C02  }
0x78: {  	[timem:s3], [sflag:s2] =	dma.local @!p0 [hbm:s0], s1  }
0x79: {  	s0 =	simm.s32 @!p0 $0x2  }
0x7a: {  	_ =	swait.ge @!p0 [sflag:s0], s1  }
0x7b: {  	s1 =	ssub.s32 @!p0 $0x0, s1;
	[sflag:s0] =	ssyncset.done @!p0 $0x0  }
0x7c: {  	[sflag:s0] =	ssyncadd.s32 @!p0 s1  }
0x7d: {  	[bflag:$0x3] =	sbarrier.arrive $0xFFFF  }
0x7e: {  	_ =	shalt  }

// kernel: kernel.8.cloned.1.call-start
scs
__scs_entry_jumppad:
0x0: {  	(pc) =	sbr.rel $0x88, $3  }
0x1: {  	(tag) =	ssettag $0x0;
	lr =	simm.s32 $0x1  }
0x2: {  	[smem:$0x3F35] =	sst lr;
	_ =	strace $0xD0000000  }
0x3: {  	_ = 	snop  }
0x4: {  	_ = 	snop  }
0x5: {  	_ = 	snop  }
0x6: {  	_ = 	snop  }
0x7: {  	_ = 	snop  }
__scs_overlays_trampoline_lowered:
0x8: {  	[smem:$0x3F44] =	sst s0  }
0x9: {  	[smem:$0x3F45] =	sst s1  }
0xa: {  	[smem:$0x3F46] =	sst s2  }
0xb: {  	[smem:$0x3F47] =	sst s3  }
0xc: {  	[smem:$0x3F48] =	sst s4  }
0xd: {  	[smem:$0x3F49] =	sst s5  }
0xe: {  	[smem:$0x3F4A] =	sst s6  }
0xf: {  	[smem:$0x3F4B] =	sst s7  }
0x10: {  	[smem:$0x3F4C] =	sst s8  }
0x11: {  	[smem:$0x3F4D] =	sst s9;
	s0 =	simm.s32 @!p0 $0x0  }
0x12: {  	s1 =	sld [smem:$0x3F33];
	s0 =	simm.s32 @p0 $0x1  }
0x13: {  	[smem:$0x3F4E] =	sst s0;
	s0 =	simm.s32 @!p1 $0x0  }
0x14: {  	s2 =	sld [smem:$0x3F32];
	s0 =	simm.s32 @p1 $0x1  }
0x15: {  	[smem:$0x3F4F] =	sst s0;
	s0 =	simm.s32 @!p2 $0x0  }
0x16: {  	s3 =	sld [smem:$0x3FDB];
	s0 =	simm.s32 @p2 $0x1  }
0x17: {  	s4 =	simm.s32 $0x1BF5;
	[smem:$0x3F51] =	sst s0  }
0x18: {  	s0 =	sld [smem:$0x3F34];
	_ =	swait.ge [sflag:s4], $0x0  }
0x19: {  	s7 =	sld [smem:$0x3F35]  }
0x1a: {  	s8 =	sadd.s32 $0xFFFFE003, lr  }
0x1b: {  	s9 =	sadd.s32 $0xFFFFFEF7, lr;
	s5 =	simm.s32 $0xFFFFFFFF;
	p2 =	slt.u32 s8, $0xFFFFF086  }
0x1c: {  	p1 =	slt.u32 s9, $0xF7A;
	s5 =	simm.s32 @!p2 $0x0  }
0x1d: {  	s5 =	simm.s32 @p1 $0x1;
	p0 =	seq.s32 s7, s2  }
0x1e: {  	s7 =	smul.u32 @!p0 $0xF7A, s2;
	p2 =	seq.s32 @!p0 s5, $0x0  }
0x1f: {  	s9 =	smul.u32 $0xF7A, s1;
	s8 =	simm.s32 @!p0 $0x1BF5;
	p2 =	por !p2, p0  }
0x20: {  	[sflag:s8] =	ssyncset.s32 @!p0 $0xFFFFF086;
	s6 =	sadd.s32 @!p0 s3, s7;
	s7 =	simm.s32 @!p0 $0x108  }
0x21: {  	s3 =	sadd.s32 s3, s9;
	s6 =	sadd.s32 @!p0 $0x88, s6;
	s7 =	simm.s32 @p2 $0x1082  }
0x22: {  	[simem:s7], [sflag:s8] =	dma.local @!p0 [hbm:s6], $0xF7A  }
0x23: {  	s9 =	sor.u32 $0xD0000000, s2;
	s6 =	simm.s32 $0x108;
	_ =	swait.ge @!p0 [sflag:s8], $0x0  }
0x24: {  	s3 =	sadd.s32 $0x88, s3;
	s6 =	simm.s32 @!p1 $0x1082;
	[sflag:s4] =	ssyncset.s32 $0xFFFFF086  }
0x25: {  	[simem:s6], [sflag:s4] =	dma.local [hbm:s3], $0xF7A  }
0x26: {  	[smem:$0x3F35] =	sst s1;
	(tag) =	ssettag s2;
	_ =	strace s9  }
0x27: {  	s1 =	sld [smem:$0x3F45]  }
0x28: {  	s2 =	sld [smem:$0x3F46]  }
0x29: {  	s4 =	sld [smem:$0x3F48]  }
0x2a: {  	p0 =	seq.s32 s5, $0x0;
	s5 =	sld [smem:$0x3F49]  }
0x2b: {  	s6 =	sld [smem:$0x3F4A]  }
0x2c: {  	s7 =	sld [smem:$0x3F4B]  }
0x2d: {  	s3 =	simm.s32 $0x108;
	s8 =	sld [smem:$0x3F4C]  }
0x2e: {  	s3 =	simm.s32 @!p0 $0x1082;
	s9 =	sld [smem:$0x3F4D]  }
0x2f: {  	lr =	sadd.s32 s0, s3;
	s0 =	sld [smem:$0x3F44]  }
0x30: {  	s3 =	sld [smem:$0x3F47]  }
0x31: {  	[smem:$0x3F50] =	sst s10  }
0x32: {  	s10 =	sld [smem:$0x3F4E];
	_ =	sdelay $0x3  }
0x33: {  	p0 =	seq.s32 s10, $0x1;
	s10 =	sld [smem:$0x3F50];
	_ =	sdelay $0x3  }
0x34: {  	[smem:$0x3F50] =	sst s10  }
0x35: {  	s10 =	sld [smem:$0x3F4F];
	_ =	sdelay $0x3  }
0x36: {  	p1 =	seq.s32 s10, $0x1;
	s10 =	sld [smem:$0x3F50];
	_ =	sdelay $0x3  }
0x37: {  	[smem:$0x3F50] =	sst s10  }
0x38: {  	s10 =	sld [smem:$0x3F51]  }
0x39: {  	_ = 	snop;
	(pc) =	sbr.ind lr, $3  }
0x3a: {  	_ = 	snop  }
0x3b: {  	_ = 	snop  }
0x3c: {  	p2 =	seq.s32 s10, $0x1;
	s10 =	sld [smem:$0x3F50]  }
0x3d: {  	_ =	shalt  }
0x3e: {  	_ =	shalt  }
0x3f: {  	_ =	shalt  }
0x40: {  	_ =	shalt  }
0x41: {  	_ =	shalt  }
0x42: {  	_ =	shalt  }
0x43: {  	_ =	shalt  }
0x44: {  	_ =	shalt  }
0x45: {  	_ =	shalt  }
0x46: {  	_ =	shalt  }
0x47: {  	_ =	shalt  }
0x48: {  	_ =	shalt  }
0x49: {  	_ =	shalt  }
0x4a: {  	_ =	shalt  }
0x4b: {  	_ =	shalt  }
0x4c: {  	_ =	shalt  }
0x4d: {  	_ =	shalt  }
0x4e: {  	_ =	shalt  }
0x4f: {  	_ =	shalt  }
0x50: {  	_ =	shalt  }
0x51: {  	_ =	shalt  }
0x52: {  	_ =	shalt  }
0x53: {  	_ =	shalt  }
0x54: {  	_ =	shalt  }
0x55: {  	_ =	shalt  }
0x56: {  	_ =	shalt  }
0x57: {  	_ =	shalt  }
0x58: {  	_ =	shalt  }
0x59: {  	_ =	shalt  }
0x5a: {  	_ =	shalt  }
0x5b: {  	_ =	shalt  }
0x5c: {  	_ =	shalt  }
0x5d: {  	_ =	shalt  }
0x5e: {  	_ =	shalt  }
0x5f: {  	_ =	shalt  }
0x60: {  	_ =	shalt  }
0x61: {  	_ =	shalt  }
0x62: {  	_ =	shalt  }
0x63: {  	_ =	shalt  }
0x64: {  	_ =	shalt  }
0x65: {  	_ =	shalt  }
0x66: {  	_ =	shalt  }
0x67: {  	_ =	shalt  }
0x68: {  	_ =	shalt  }
0x69: {  	_ =	shalt  }
0x6a: {  	_ =	shalt  }
0x6b: {  	_ =	shalt  }
0x6c: {  	_ =	shalt  }
0x6d: {  	_ =	shalt  }
0x6e: {  	_ =	shalt  }
0x6f: {  	_ =	shalt  }
0x70: {  	_ =	shalt  }
0x71: {  	_ =	shalt  }
0x72: {  	_ =	shalt  }
0x73: {  	_ =	shalt  }
0x74: {  	_ =	shalt  }
0x75: {  	_ =	shalt  }
0x76: {  	_ =	shalt  }
0x77: {  	_ =	shalt  }
0x78: {  	_ =	shalt  }
0x79: {  	_ =	shalt  }
0x7a: {  	_ =	shalt  }
0x7b: {  	_ =	shalt  }
0x7c: {  	_ =	shalt  }
0x7d: {  	_ =	shalt  }
0x7e: {  	_ =	shalt  }
0x7f: {  	_ =	shalt  }
0x80: {  	_ =	shalt  }
0x81: {  	_ =	shalt  }
0x82: {  	_ =	shalt  }
0x83: {  	_ =	shalt  }
0x84: {  	_ =	shalt  }
0x85: {  	_ =	shalt  }
0x86: {  	_ =	shalt  }
0x87: {  	_ =	shalt  }
.Lfunc_end0:
.L_simem_size_0:
called_computation_lowered:
.L_overlay_start_0:
0x88: {  	s2 =	sld [smem:$0x3FD9]  }
0x89: {  	s3 =	sld [smem:$0x3FFE];
	_ =	sdelay $0x1  }
0x8a: {  	s1 =	srdreg.scid  }
0x8b: {  	s0 =	sand.u32 $0x1, s1  }
0x8c: {  	s14 =	sshll.u32 s0, $0xA;
	s2 =	sadd.s32 s3, s2  }
0x8d: {  	s2 =	sadd.s32 s2, s14  }
0x8e: {  	[smem:$0x3F5C] =	sst s2  }
0x8f: {  	_ = 	snop  }
0x90: {  	s2 =	sld [smem:$0x3FD0];
	_ =	sdelay $0x2  }
0x91: {  	s15 =	simm.s32 $0xA;
	s4 =	simm.s32 $0x10  }
0x92: {  	[smem:s4], [sflag:s15] =	dma.local [hbm:s2], $0x1  }
0x93: {  	_ =	swait.eq [sflag:s15], $0x1  }
0x94: {  	[sflag:s15] =	ssyncset.done $0x0  }
0x95: {  	[sflag:s15] =	ssyncadd.s32 $0xFFFFFFFF  }
0x96: {  	s16 =	sld [smem:$0x10];
	(tm) =	ssettm $0x1  }
0x97: {  	s17 =	sld [smem:$0x3FFB];
	_ =	sdelay $0x3  }
0x98: {  	_ =	strace s17  }
0x99: {  	s3 =	sld [smem:$0x3FFC];
	_ =	sdelay $0x3  }
0x9a: {  	_ =	strace s3  }
0x9b: {  	s3 =	sld [smem:$0x3FFD];
	_ =	sdelay $0x3  }
0x9c: {  	_ =	strace s3  }
0x9d: {  	_ =	strace $0x8FFFFFFF  }
0x9e: {  	s18 =	sld [smem:$0x3FDB];
	_ =	sdelay $0x1  }
0x9f: {  	s19 =	simm.s32 $_scs_section_size  }
0xa0: {  	s5 =	simm.s32 $_size__tile_overlayer_lowered;
	s6 =	simm.s32 $_tile_overlayer_lowered  }
0xa1: {  	s22 =	simm.s32 $0x1BFF;
	s21 =	sshll.u32 s6, $0x1;
	s3 =	sadd.s32 s19, s18  }
0xa2: {  	s7 =	simm.s32 $0x0;
	s20 =	sshll.u32 s5, $0x1;
	s5 =	sadd.s32 s21, s3  }
0xa3: {  	[timem:s7], [sflag:s22] =	dma.local [hbm:s5], s20  }
0xa4: {  	_ =	swait.ge [sflag:s22], s20  }
0xa5: {  	s4 =	ssub.s32 $0x0, s20;
	[sflag:s22] =	ssyncset.done $0x0  }
0xa6: {  	[sflag:s22] =	ssyncadd.s32 s4;
	_ =	sdelay $0x1  }
0xa7: {  	s23 =	simm.s32 $0x1B8B  }
0xa8: {  	_ =	swait.ge [sflag:s23], $0x1  }
0xa9: {  	[sflag:s23] =	ssyncset.done $0x0  }
0xaa: {  	s25 =	simm.s32 $0x1B8E;
	s24 =	sld [smem:$0x3FFE];
	[sflag:s23] =	ssyncadd.s32 $0xFFFFFFFF  }
0xab: {  	s26 =	simm.s32 $execute0_lowered;
	[smem:$0x3FD2] =	sst s25  }
0xac: {  	s5 =	sshll.u32 s26, $0x1;
	_ =	strace $0x80000046;
	[dreg:$0x1] =	wrdreg $0xFFFFFFFF  }
0xad: {  	s28 =	simm.s32 $_size_execute0_lowered;
	s3 =	sadd.s32 s3, s5;
	[dreg:$0x0] =	wrdreg $0x0  }
0xae: {  	s5 =	sshll.u32 s28, $0x1;
	[dreg:$0x2] =	wrdreg s3  }
0xaf: {  	[dreg:$0x3] =	wrdreg s5  }
0xb0: {  	[dreg:$0x4] =	wrdreg $0xC0  }
0xb1: {  	_ =	task [dreg:s7], $0x5FFFF  }
0xb2: {  	[dreg:$0x1] =	wrdreg $0xFFFFFFFF  }
0xb3: {  	[dreg:$0x0] =	wrdreg $0x60  }
0xb4: {  	[dreg:$0x2] =	wrdreg s24  }
0xb5: {  	[dreg:$0x3] =	wrdreg s16  }
0xb6: {  	[dreg:$0x4] =	wrdreg $0x20800  }
0xb7: {  	[dreg:$0x5] =	wrdreg $0x9  }
0xb8: {  	_ =	task.clear_ibuf [dreg:s7], $0x6FFFF;
	_ =	strace $0x90000046  }
0xb9: {  	s29 =	simm.s32 $0x9;
	_ =	strace $0x80000048  }
0xba: {  	_ =	swait.ge [sflag:s29], $0x1  }
0xbb: {  	[sflag:s29] =	ssyncadd.s32 $0xFFFFFFFF  }
0xbc: {  	_ =	strace $0x90000048  }
0xbd: {  	_ =	sfence  }
0xbe: {  	s30 =	sld [smem:$0x0];
	_ =	sdelay $0x2  }
0xbf: {  	s31 =	sshll.u32 s1, $0xD;
	s1 =	sshrl.u32 s1, $0x2  }
0xc0: {  	s3 =	sand.u32 $0x4000, s31;
	s1 =	sadd.s32 s1, s30  }
0xc1: {  	s0 =	sor.u32 s3, s0;
	s1 =	sshll.u32 s1, $0x11  }
0xc2: {  	s0 =	sor.u32 s1, s0  }
0xc3: {  	s0 =	sadd.s32 $0x8F2B, s0  }
0xc4: {  	[sflag:s0] =	ssyncadd.remote.s32 $0x1  }
0xc5: {  	_ =	sfence.sel $0xFFFF  }
0xc6: {  	[dreg:$0x0] =	wrdreg $0xFFFFFFFF;
	(pc) =	sbr.abs _section_cstart, $3  }
0xc7: {  	[dreg:$0x1] =	wrdreg $0xFFFFFFFF  }
0xc8: {  	_ =	task.clear_ibuf [dreg:s7], $0x2FFFF;
	_ =	strace $0x9FFFFFFF  }
0xc9: {  	(tm) =	ssettm $0x7FFFFFFF  }
tec
execute0_lowered:
.L_overlay_start_1:
0x0: {  	(tag) =	ssettag $0x1  }
0x1: {  	s2 =	srdreg.scid  }
0x2: {  	s5 =	sand.u32 $0x1, s2  }
0x3: {  	s3 =	rddreg [dreg:$0x0];
	s8 =	sshll.u32 s5, $0x7;
	s5 =	ssub.s32 $0x2, s5  }
0x4: {  	s4 =	rddreg [dreg:$0x1];
	s10 =	sshrl.u32 s5, $0x1  }
0x5: {  	s1 =	rddreg [dreg:$0x2];
	s29 =	ssub.s32 s5, s10  }
0x6: {  	s0 =	rddreg [dreg:$0x3];
	s31 =	smax.u32 s29, $0x1  }
0x7: {  	s6 =	stileid.u32;
	p1 =	por $0x0, $0x0;
	s12 =	sadd.s32 $0xFFFFFFFF, s31  }
0x8: {  	s2 =	simm.s32 $0x0;
	s7 =	sshll.u32 s6, $0x8;
	p2 =	sne.s32 s12, $0x0  }
.Ltmp0:
0x9: {  	p0 =	sne.s32 s6, $0x0;
	[smem:$0x7FF] =	sst s2;
	(pc) =	sbr.rel @!p2 .LBB2_3-.Ltmp0, $4  }
0xa: {  	s6 =	simm.s32 $0x80;
	s8 =	sor.u32 s8, s7;
	_ =	strace $0x80000047  }
0xb: {  	s7 =	sadd.s32 $0xFA00, s3;
	s9 =	sshrl.u32 s8, $0x3;
	s30 =	sshll.u32 s8, $0x3  }
0xc: {  	s8 =	simm.s32 $0x1;
	s3 =	sadd.s32 s9, s3;
	s9 =	sshrl.u32 @!p0 s1, $0x3  }
0xd: {  	s5 =	sadd.s32 $0x11C00, s3;
	s3 =	sadd.s32 s4, s30;
	s4 =	simm.s32 $0x2  }
0xe: {  	s10 =	simm.s32 @!p0 $0x1C02;
	s11 =	simm.s32 @!p0 $0x2  }
0xf: {  	[spmem:s9], [sflag:s10] =	dma.local @!p0 [hbm:s7], $0x2000  }
0x10: {  	_ =	swait.ge @!p0 [sflag:s11], $0x2000  }
0x11: {  	[sflag:s11] =	ssyncset.done @!p0 $0x0  }
0x12: {  	[sflag:s11] =	ssyncadd.s32 @!p0 $0xFFFFE000  }
0x13: {  	[bflag:$0x0] =	sbarrier.arrive $0xFFFF  }
0x14: {  	[tilespmem:s2], [sflag:$0x2] =	stream.linear.gather [hbm4b:s5+s2], $0x80, $0x38;
	[tilespmem:$0x3080] =	vst v63  }
0x15: {  	_ =	swait.ge [sflag:s4], $0x80  }
0x16: {  	[sflag:s4] =	ssyncset.done $0x0  }
0x17: {  	s12 =	sadd.s32 $0xFFFFFFFF, s12;
	[sflag:s4] =	ssyncadd.s32 $0xFFFFFF80  }
0x18: {  	[tilespmem:s6], [sflag:$0x1] =	stream.indirect.gather [spmem:s1], $0x40, s2, s6, $0xb8;
	[tilespmem:$0x3080] =	vst v63  }
0x19: {  	p2 =	sne.s32 s12, $0x0;
	_ =	swait.ge [sflag:s8], $0x2000  }
.Ltmp1:
0x1a: {  	[sflag:s8] =	ssyncset.done $0x0;
	(pc) =	sbr.rel @!p2 .LBB2_3-.Ltmp1, $4  }
0x1b: {  	[sflag:s8] =	ssyncadd.s32 $0xFFFFE000  }
0x1c: {  	[hbm4b:s3+s2] =	stream.linear.scatter [tilespmem:s6], [sflag:$0x2], $0x2000, $0x38;
	[tilespmem:$0x3080] =	vst v63  }
0x1d: {  	_ =	swait.ge [sflag:s4], $0x2000  }
0x1e: {  	p1 =	por $0x1, $0x1;
	[sflag:s4] =	ssyncset.done $0x0  }
.LBB2_2:
0x1f: {  	[sflag:s4] =	ssyncadd.s32 $0xFFFFE000  }
0x20: {  	[spmem:s9], [sflag:s10] =	dma.local @!p0 [hbm:s7], $0x2000  }
0x21: {  	s12 =	sadd.s32 $0xFFFFFFFF, s12;
	_ =	swait.ge @!p0 [sflag:s11], $0x2000  }
0x22: {  	p2 =	sne.s32 s12, $0x0;
	[sflag:s11] =	ssyncset.done @!p0 $0x0  }
0x23: {  	[sflag:s11] =	ssyncadd.s32 @!p0 $0xFFFFE000  }
0x24: {  	[bflag:$0x0] =	sbarrier.arrive $0xFFFF  }
0x25: {  	[tilespmem:s2], [sflag:$0x2] =	stream.linear.gather [hbm4b:s5+s2], $0x80, $0x38;
	[tilespmem:$0x3080] =	vst v63  }
0x26: {  	_ =	swait.ge [sflag:s4], $0x80  }
0x27: {  	[sflag:s4] =	ssyncset.done $0x0  }
0x28: {  	[sflag:s4] =	ssyncadd.s32 $0xFFFFFF80  }
0x29: {  	[tilespmem:s6], [sflag:$0x1] =	stream.indirect.gather [spmem:s1], $0x40, s2, s6, $0xb8;
	[tilespmem:$0x3080] =	vst v63  }
0x2a: {  	_ =	swait.ge [sflag:s8], $0x2000  }
.Ltmp2:
0x2b: {  	[sflag:s8] =	ssyncset.done $0x0;
	(pc) =	sbr.rel @p2 .LBB2_2-.Ltmp2, $4  }
0x2c: {  	[sflag:s8] =	ssyncadd.s32 $0xFFFFE000  }
0x2d: {  	[hbm4b:s3+s2] =	stream.linear.scatter [tilespmem:s6], [sflag:$0x2], $0x2000, $0x38;
	[tilespmem:$0x3080] =	vst v63  }
0x2e: {  	_ =	swait.ge [sflag:s4], $0x2000  }
0x2f: {  	[sflag:s4] =	ssyncset.done $0x0  }
.LBB2_3:
0x30: {  	s10 =	simm.s32 @!p0 $0x1C02;
	s11 =	simm.s32 @!p0 $0x2;
	[sflag:s4] =	ssyncadd.s32 @p1 $0xFFFFE000  }
0x31: {  	[spmem:s9], [sflag:s10] =	dma.local @!p0 [hbm:s7], $0x2000  }
0x32: {  	_ =	swait.ge @!p0 [sflag:s11], $0x2000  }
0x33: {  	[sflag:s11] =	ssyncset.done @!p0 $0x0  }
0x34: {  	[sflag:s11] =	ssyncadd.s32 @!p0 $0xFFFFE000  }
0x35: {  	[bflag:$0x0] =	sbarrier.arrive $0xFFFF  }
0x36: {  	[tilespmem:s2], [sflag:$0x2] =	stream.linear.gather [hbm4b:s5+s2], $0x80, $0x38;
	[tilespmem:$0x3080] =	vst v63  }
0x37: {  	_ =	swait.ge [sflag:s4], $0x80  }
0x38: {  	[sflag:s4] =	ssyncset.done $0x0  }
0x39: {  	[sflag:s4] =	ssyncadd.s32 $0xFFFFFF80  }
0x3a: {  	[tilespmem:s6], [sflag:$0x1] =	stream.indirect.gather [spmem:s1], $0x40, s2, s6, $0xb8;
	[tilespmem:$0x3080] =	vst v63  }
0x3b: {  	_ =	swait.ge [sflag:s8], $0x2000  }
0x3c: {  	[sflag:s8] =	ssyncset.done $0x0  }
0x3d: {  	[sflag:s8] =	ssyncadd.s32 $0xFFFFE000  }
0x3e: {  	[hbm4b:s3+s2] =	stream.linear.scatter [tilespmem:s6], [sflag:$0x2], $0x2000, $0x38;
	[tilespmem:$0x3080] =	vst v63  }
0x3f: {  	_ =	swait.ge [sflag:s4], $0x2000  }
0x40: {  	[sflag:s4] =	ssyncset.done $0x0  }
0x41: {  	[sflag:s4] =	ssyncadd.s32 $0xFFFFE000  }
0x42: {  	_ =	sfence.sel $0x180000  }
0x43: {  	[bflag:$0x0] =	sbarrier.arrive $0xFFFF  }
0x44: {  	_ =	strace $0x90000047  }
0x45: {  	s0 =	sadd.s32 @!p0 $0x100000, s0;
	[bflag:$0x2] =	sbarrier.arrive $0xFFFF  }
0x46: {  	[sflag:s0] =	ssyncadd.tile.s32 @!p0 $0x1;
	_ =	shalt  }
.Lfunc_end2:
_tile_overlayer_lowered:
.L_overlay_start_2:
0x47: {  	(tag) =	ssettag $0x2  }
0x48: {  	s0 =	rddreg [dreg:$0x0];
	s2 =	stileid.u32  }
0x49: {  	s1 =	rddreg [dreg:$0x1];
	p0 =	sne.s32 s2, $0x0  }
0x4a: {  	s3 =	rddreg [dreg:$0x2];
	[bflag:$0x3] =	sbarrier.arrive $0xFFFF;
	s2 =	simm.s32 @!p0 $0x1C02  }
0x4b: {  	[timem:s3], [sflag:s2] =	dma.local @!p0 [hbm:s0], s1  }
0x4c: {  	s0 =	simm.s32 @!p0 $0x2  }
0x4d: {  	_ =	swait.ge @!p0 [sflag:s0], s1  }
0x4e: {  	s1 =	ssub.s32 @!p0 $0x0, s1;
	[sflag:s0] =	ssyncset.done @!p0 $0x0  }
0x4f: {  	[sflag:s0] =	ssyncadd.s32 @!p0 s1  }
0x50: {  	[bflag:$0x3] =	sbarrier.arrive $0xFFFF  }
0x51: {  	_ =	shalt  }

</sc_bundles>
